<compile_context>
chip_gen: v7x
topology: tpu7x:2x2x1
jax: 0.10.2.dev20260603
libtpu: 0.0.44.dev20260713+nightly
codegen_flags: <defaults>
</compile_context>

<pallas_src>
import functools

import jax
import jax.numpy as jnp
from jax import lax
from jax.experimental import pallas as pl
from jax.experimental.pallas import tpu as pltpu
from jax.experimental.pallas import tpu_sc as plsc

_GEN = 64
_N = 1048576
_R = 8192
_C = 128
_RB = 2048
_G = _R // _RB
_NUM_ASSOC = _N + 1 - _GEN
_SCALE = float(_NUM_ASSOC - 2)
_MAX_IND = float(_NUM_ASSOC - 1)

_NC = 2
_NS = 16
_NW = _NC * _NS
_B_PER_W = _N // _NW
_K = 4096
_NCH = _B_PER_W // _K
_NB = 3
_L = 16


def _tc_precompute(w_ref, wn_ref, d_ref):
    w = w_ref[...]
    wsh = jnp.concatenate([w[1:, :], wn_ref[0:1, :]], axis=0)
    ii = lax.broadcasted_iota(jnp.int32, (_C, _C), 0)
    cc = lax.broadcasted_iota(jnp.int32, (_C, _C), 1)
    a_mask = ((ii >= cc) & (ii <= cc + 63)).astype(jnp.float32)
    b_mask = (ii <= cc - 65).astype(jnp.float32)
    d_ref[...] = (
        jnp.dot(w, a_mask, preferred_element_type=jnp.float32)
        + jnp.dot(wsh, b_mask, preferred_element_type=jnp.float32))


@functools.cache
def _make_sc_kernel():
    mesh = plsc.VectorSubcoreMesh(core_axis_name="c", subcore_axis_name="s")

    @functools.partial(
        pl.kernel,
        out_type=jax.ShapeDtypeStruct((_N,), jnp.float32),
        mesh=mesh,
        scratch_types=(
            [pltpu.VMEM((_K,), jnp.float32) for _ in range(2)]
            + [pltpu.VMEM((_K,), jnp.int32) for _ in range(_NCH)]
            + [pltpu.VMEM((_K,), jnp.float32) for _ in range(_NB)]
            + [pltpu.SemaphoreType.DMA((2,)),
               pltpu.SemaphoreType.DMA((_NB,)),
               pltpu.SemaphoreType.DMA((_NB,))]
        ),
    )
    def _sc_body(d_hbm, x_hbm, out_hbm, *refs):
        xv = list(refs[0:2])
        idx = list(refs[2:2 + _NCH])
        val = list(refs[2 + _NCH:2 + _NCH + _NB])
        sem_x, sem_g, sem_o = refs[2 + _NCH + _NB:]
        sid = lax.axis_index("s")
        wid = sid * _NC + lax.axis_index("c")
        base = wid * _B_PER_W

        cp_x = [None, None]
        cp_x[0] = pltpu.async_copy(
            x_hbm.at[pl.ds(base, _K)], xv[0], sem_x.at[0])
        for k in range(_NCH):
            b2 = k % 2
            if k + 1 < _NCH:
                cp_x[1 - b2] = pltpu.async_copy(
                    x_hbm.at[pl.ds(base + (k + 1) * _K, _K)],
                    xv[1 - b2], sem_x.at[1 - b2])
            cp_x[b2].wait()
            xv_b = xv[b2]
            idx_k = idx[k]

            @plsc.parallel_loop(0, _K, _L, unroll=8)
            def _compute_idx(i):
                p = xv_b[pl.ds(i, _L)] * _SCALE + 1.0
                p = jnp.maximum(p, 1.0)
                p = jnp.minimum(p, _MAX_IND)
                idx_k[pl.ds(i, _L)] = p.astype(jnp.int32)

        cp_g = [None] * _NCH
        cp_o = [None] * _NCH

        def _drain(k):
            cp_g[k].wait()
            cp_o[k] = pltpu.async_copy(
                val[k % _NB], out_hbm.at[pl.ds(base + k * _K, _K)],
                sem_o.at[k % _NB])

        for k in range(_NCH):
            b = k % _NB
            if k >= _NB:
                cp_o[k - _NB].wait()
            cp_g[k] = pltpu.async_copy(d_hbm.at[idx[k]], val[b], sem_g.at[b])
            if k >= 1:
                _drain(k - 1)
        _drain(_NCH - 1)
        for k in range(max(_NCH - _NB, 0), _NCH):
            cp_o[k].wait()

    return _sc_body


def kernel(input_data, weight_vec):
    w2 = weight_vec.reshape(_R, _C)
    d2 = pl.pallas_call(
        _tc_precompute,
        grid=(_G,),
        in_specs=[
            pl.BlockSpec((_RB, _C), lambda i: (i, 0)),
            pl.BlockSpec(
                (8, _C),
                lambda i: (jnp.minimum((i + 1) * (_RB // 8), _R // 8 - 1), 0)),
        ],
        out_specs=pl.BlockSpec((_RB, _C), lambda i: (i, 0)),
        out_shape=jax.ShapeDtypeStruct((_R, _C), jnp.float32),
    )(w2, w2)
    return _make_sc_kernel()(d2.reshape(_N), input_data)

# --- scband reference (transcript-rebuilt; emitter-appended) ---
"""Pipeline reference for scband-dcmac-62440234549508 (READ-ONLY COPY).

The authoritative reference and input builder live on the scoring server;
editing this copy changes nothing except your own understanding.
"""

import jax, jax.numpy as jnp
import numpy as np

GEN_FACTOR = 64
NUM_WEIGHTS = 1048576
INPUT_MIN = 0.0
INPUT_MAX = 1.0


def setup_inputs(seed: int = 0) -> dict:
    key = jax.random.key(seed)
    k1, k2 = jax.random.split(key)
    input_data = jax.random.uniform(k1, (1048576,), dtype=jnp.float32, minval=0.0, maxval=1.0)
    # learned parameter: weight_vec initialized to ones as in the torch module
    weight_vec = jnp.ones((NUM_WEIGHTS,), dtype=jnp.float32)
    return {"input_data": input_data, "weight_vec": weight_vec}


def reference(input_data, weight_vec):
    num_of_assoc_vec = NUM_WEIGHTS + 1 - GEN_FACTOR
    # get_assoc_vec_ind
    proportion_ind = (num_of_assoc_vec - 2) * ((input_data - INPUT_MIN) / (INPUT_MAX - INPUT_MIN)) + 1.0
    proportion_ind = jnp.where(proportion_ind < 1, 1.0, proportion_ind)
    proportion_ind = jnp.where(proportion_ind > num_of_assoc_vec - 1, float(num_of_assoc_vec - 1), proportion_ind)
    asc_wt_ind = jnp.floor(proportion_ind).astype(jnp.int32)
    # indices = asc_wt_ind.unsqueeze(1) + arange(gen_factor).unsqueeze(0)
    indices = asc_wt_ind[:, None] + jnp.arange(GEN_FACTOR, dtype=jnp.int32)[None, :]
    # gather from weight table and reduce over the generalization window
    y_output = jnp.sum(jnp.take(weight_vec, indices, axis=0), axis=1)
    return y_output

if __name__ == "__main__":
    import jax
    _d = setup_inputs()
    print(jax.jit(kernel)(*tuple(_d.values())))

</pallas_src>

<mosaic_0001>
#map = affine_map<(d0, d1) -> (0)>
module attributes {stable_mosaic.version = 14 : i64} {
  func.func @_sc_body(%arg0: i32, %arg1: i32, %arg2: memref<1048576xf32, #tpu.memory_space<hbm>>, %arg3: memref<1048576xf32, #tpu.memory_space<hbm>>, %arg4: memref<1048576xf32, #tpu.memory_space<hbm>>, %arg5: memref<4096xf32, #tpu.memory_space<vmem>>, %arg6: memref<4096xf32, #tpu.memory_space<vmem>>, %arg7: memref<4096xi32, #tpu.memory_space<vmem>>, %arg8: memref<4096xi32, #tpu.memory_space<vmem>>, %arg9: memref<4096xi32, #tpu.memory_space<vmem>>, %arg10: memref<4096xi32, #tpu.memory_space<vmem>>, %arg11: memref<4096xi32, #tpu.memory_space<vmem>>, %arg12: memref<4096xi32, #tpu.memory_space<vmem>>, %arg13: memref<4096xi32, #tpu.memory_space<vmem>>, %arg14: memref<4096xi32, #tpu.memory_space<vmem>>, %arg15: memref<4096xf32, #tpu.memory_space<vmem>>, %arg16: memref<4096xf32, #tpu.memory_space<vmem>>, %arg17: memref<4096xf32, #tpu.memory_space<vmem>>, %arg18: memref<2x!tpu.dma_semaphore, #tpu.memory_space<semaphore_mem>>, %arg19: memref<3x!tpu.dma_semaphore, #tpu.memory_space<semaphore_mem>>, %arg20: memref<3x!tpu.dma_semaphore, #tpu.memory_space<semaphore_mem>>) attributes {dimension_semantics = [#tpu.dimension_semantics<core_parallel>, #tpu.dimension_semantics<subcore_parallel>], iteration_bounds = array<i64: 2, 16>, scalar_prefetch = 0 : i64, scratch_operands = 16 : i64, tpu.core_type = #tpu.core_type<sc_vector_subcore>, window_params = [{transform_indices = #map}, {transform_indices = #map}, {transform_indices = #map}]} {
    %mul3A = arith.constant 2 : i32
    %mul3A_0 = arith.muli %arg1, %mul3A : i32
    %add3A = arith.addi %mul3A_0, %arg0 : i32
    %mul3A_1 = arith.constant 32768 : i32
    %mul3A_2 = arith.muli %add3A, %mul3A_1 : i32
    %dma_start3A = arith.constant 0 : i32
    %dma_start3A_3 = tpu.memref_slice %arg3[%mul3A_2] : memref<1048576xf32, #tpu.memory_space<hbm>> -> memref<4096xf32, #tpu.memory_space<hbm>>
    %dma_start3A_4 = tpu.memref_slice %arg18[%dma_start3A] : memref<2x!tpu.dma_semaphore, #tpu.memory_space<semaphore_mem>> -> memref<1x!tpu.dma_semaphore, #tpu.memory_space<semaphore_mem>>
    %dma_start3A_5 = tpu.memref_squeeze %dma_start3A_4 : memref<1x!tpu.dma_semaphore, #tpu.memory_space<semaphore_mem>> -> memref<!tpu.dma_semaphore, #tpu.memory_space<semaphore_mem>>
    %dma_start3A_6 = tpu.memref_slice %arg3[%mul3A_2] : memref<1048576xf32, #tpu.memory_space<hbm>> -> memref<4096xf32, #tpu.memory_space<hbm>>
    tpu.enqueue_dma source(%dma_start3A_6 : memref<4096xf32, #tpu.memory_space<hbm>>) target(%arg5 : memref<4096xf32, #tpu.memory_space<vmem>>) target_semaphore(%dma_start3A_5 : memref<!tpu.dma_semaphore, #tpu.memory_space<semaphore_mem>>)
    %add3A_7 = arith.constant 4096 : i32
    %add3A_8 = arith.addi %mul3A_2, %add3A_7 : i32
    %dma_start3A_9 = arith.constant 1 : i32
    %dma_start3A_10 = tpu.memref_slice %arg3[%add3A_8] : memref<1048576xf32, #tpu.memory_space<hbm>> -> memref<4096xf32, #tpu.memory_space<hbm>>
    %dma_start3A_11 = tpu.memref_slice %arg18[%dma_start3A_9] : memref<2x!tpu.dma_semaphore, #tpu.memory_space<semaphore_mem>> -> memref<1x!tpu.dma_semaphore, #tpu.memory_space<semaphore_mem>>
    %dma_start3A_12 = tpu.memref_squeeze %dma_start3A_11 : memref<1x!tpu.dma_semaphore, #tpu.memory_space<semaphore_mem>> -> memref<!tpu.dma_semaphore, #tpu.memory_space<semaphore_mem>>
    %dma_start3A_13 = tpu.memref_slice %arg3[%add3A_8] : memref<1048576xf32, #tpu.memory_space<hbm>> -> memref<4096xf32, #tpu.memory_space<hbm>>
    tpu.enqueue_dma source(%dma_start3A_13 : memref<4096xf32, #tpu.memory_space<hbm>>) target(%arg6 : memref<4096xf32, #tpu.memory_space<vmem>>) target_semaphore(%dma_start3A_12 : memref<!tpu.dma_semaphore, #tpu.memory_space<semaphore_mem>>)
    %dma_wait3A = arith.constant 0 : i32
    %dma_wait3A_14 = tpu.memref_slice %arg3[%mul3A_2] : memref<1048576xf32, #tpu.memory_space<hbm>> -> memref<4096xf32, #tpu.memory_space<hbm>>
    %dma_wait3A_15 = tpu.memref_slice %arg18[%dma_wait3A] : memref<2x!tpu.dma_semaphore, #tpu.memory_space<semaphore_mem>> -> memref<1x!tpu.dma_semaphore, #tpu.memory_space<semaphore_mem>>
    %dma_wait3A_16 = tpu.memref_squeeze %dma_wait3A_15 : memref<1x!tpu.dma_semaphore, #tpu.memory_space<semaphore_mem>> -> memref<!tpu.dma_semaphore, #tpu.memory_space<semaphore_mem>>
    %dma_wait3A_17 = tpu.memref_slice %arg3[%mul3A_2] : memref<1048576xf32, #tpu.memory_space<hbm>> -> memref<4096xf32, #tpu.memory_space<hbm>>
    tpu.wait_dma2 semaphore(%dma_wait3A_16 : memref<!tpu.dma_semaphore, #tpu.memory_space<semaphore_mem>>) src(%dma_wait3A_17 : memref<4096xf32, #tpu.memory_space<hbm>>) dst(%arg5 : memref<4096xf32, #tpu.memory_space<vmem>>)
    %parallel_loop3A = arith.constant 0 : i32
    %parallel_loop3A_18 = arith.constant 4096 : i32
    %parallel_loop3A_19 = arith.constant 16 : i32
    scf.for %parallel_loop3A_294 = %parallel_loop3A to %parallel_loop3A_18 step %parallel_loop3A_19  : i32 {
      %parallel_loop3A_295 = arith.index_cast %parallel_loop3A_294 : i32 to index
      %parallel_loop3A_296 = tpu.vector_load %arg5[%parallel_loop3A_295] {strides = array<i32>} : memref<4096xf32, #tpu.memory_space<vmem>>, vector<16xf32>,
      %parallel_loop3A_297 = vector.shape_cast %parallel_loop3A_296 : vector<16xf32> to vector<16xf32>
      %parallel_loop3A_298 = arith.constant 0x497FFBF0 : f32
      %parallel_loop3A_299 = vector.broadcast %parallel_loop3A_298 : f32 to vector<16xf32>
      %parallel_loop3A_300 = arith.mulf %parallel_loop3A_297, %parallel_loop3A_299 : vector<16xf32>
      %parallel_loop3A_301 = arith.constant 1.000000e+00 : f32
      %parallel_loop3A_302 = vector.broadcast %parallel_loop3A_301 : f32 to vector<16xf32>
      %parallel_loop3A_303 = arith.addf %parallel_loop3A_300, %parallel_loop3A_302 : vector<16xf32>
      %parallel_loop3A_304 = arith.constant 1.000000e+00 : f32
      %parallel_loop3A_305 = vector.broadcast %parallel_loop3A_304 : f32 to vector<16xf32>
      %parallel_loop3A_306 = arith.maximumf %parallel_loop3A_303, %parallel_loop3A_305 : vector<16xf32>
      %parallel_loop3A_307 = arith.constant 0x497FFC00 : f32
      %parallel_loop3A_308 = vector.broadcast %parallel_loop3A_307 : f32 to vector<16xf32>
      %parallel_loop3A_309 = arith.minimumf %parallel_loop3A_306, %parallel_loop3A_308 : vector<16xf32>
      %parallel_loop3A_310 = arith.fptosi %parallel_loop3A_309 : vector<16xf32> to vector<16xi32>
      %parallel_loop3A_311 = arith.index_cast %parallel_loop3A_294 : i32 to index
      %parallel_loop3A_312 = tpu.vector_load %arg7[%parallel_loop3A_311] {strides = array<i32>} : memref<4096xi32, #tpu.memory_space<vmem>>, vector<16xi32>,
      %parallel_loop3A_313 = vector.shape_cast %parallel_loop3A_312 : vector<16xi32> to vector<16xi32>
      %parallel_loop3A_314 = vector.shape_cast %parallel_loop3A_310 : vector<16xi32> to vector<16xi32>
      tpu.vector_store %arg7[%parallel_loop3A_311], %parallel_loop3A_314 {strides = array<i32>} : memref<4096xi32, #tpu.memory_space<vmem>>, vector<16xi32>,
    } {sc.loop_unroll_factor = 8 : i64, sc.parallel_access}
    %add3A_20 = arith.constant 8192 : i32
    %add3A_21 = arith.addi %mul3A_2, %add3A_20 : i32
    %dma_start3A_22 = arith.constant 0 : i32
    %dma_start3A_23 = tpu.memref_slice %arg3[%add3A_21] : memref<1048576xf32, #tpu.memory_space<hbm>> -> memref<4096xf32, #tpu.memory_space<hbm>>
    %dma_start3A_24 = tpu.memref_slice %arg18[%dma_start3A_22] : memref<2x!tpu.dma_semaphore, #tpu.memory_space<semaphore_mem>> -> memref<1x!tpu.dma_semaphore, #tpu.memory_space<semaphore_mem>>
    %dma_start3A_25 = tpu.memref_squeeze %dma_start3A_24 : memref<1x!tpu.dma_semaphore, #tpu.memory_space<semaphore_mem>> -> memref<!tpu.dma_semaphore, #tpu.memory_space<semaphore_mem>>
    %dma_start3A_26 = tpu.memref_slice %arg3[%add3A_21] : memref<1048576xf32, #tpu.memory_space<hbm>> -> memref<4096xf32, #tpu.memory_space<hbm>>
    tpu.enqueue_dma source(%dma_start3A_26 : memref<4096xf32, #tpu.memory_space<hbm>>) target(%arg5 : memref<4096xf32, #tpu.memory_space<vmem>>) target_semaphore(%dma_start3A_25 : memref<!tpu.dma_semaphore, #tpu.memory_space<semaphore_mem>>)
    %dma_wait3A_27 = arith.constant 1 : i32
    %dma_wait3A_28 = tpu.memref_slice %arg3[%add3A_8] : memref<1048576xf32, #tpu.memory_space<hbm>> -> memref<4096xf32, #tpu.memory_space<hbm>>
    %dma_wait3A_29 = tpu.memref_slice %arg18[%dma_wait3A_27] : memref<2x!tpu.dma_semaphore, #tpu.memory_space<semaphore_mem>> -> memref<1x!tpu.dma_semaphore, #tpu.memory_space<semaphore_mem>>
    %dma_wait3A_30 = tpu.memref_squeeze %dma_wait3A_29 : memref<1x!tpu.dma_semaphore, #tpu.memory_space<semaphore_mem>> -> memref<!tpu.dma_semaphore, #tpu.memory_space<semaphore_mem>>
    %dma_wait3A_31 = tpu.memref_slice %arg3[%add3A_8] : memref<1048576xf32, #tpu.memory_space<hbm>> -> memref<4096xf32, #tpu.memory_space<hbm>>
    tpu.wait_dma2 semaphore(%dma_wait3A_30 : memref<!tpu.dma_semaphore, #tpu.memory_space<semaphore_mem>>) src(%dma_wait3A_31 : memref<4096xf32, #tpu.memory_space<hbm>>) dst(%arg6 : memref<4096xf32, #tpu.memory_space<vmem>>)
    %parallel_loop3A_32 = arith.constant 0 : i32
    %parallel_loop3A_33 = arith.constant 4096 : i32
    %parallel_loop3A_34 = arith.constant 16 : i32
    scf.for %parallel_loop3A_294 = %parallel_loop3A_32 to %parallel_loop3A_33 step %parallel_loop3A_34  : i32 {
      %parallel_loop3A_295 = arith.index_cast %parallel_loop3A_294 : i32 to index
      %parallel_loop3A_296 = tpu.vector_load %arg6[%parallel_loop3A_295] {strides = array<i32>} : memref<4096xf32, #tpu.memory_space<vmem>>, vector<16xf32>,
      %parallel_loop3A_297 = vector.shape_cast %parallel_loop3A_296 : vector<16xf32> to vector<16xf32>
      %parallel_loop3A_298 = arith.constant 0x497FFBF0 : f32
      %parallel_loop3A_299 = vector.broadcast %parallel_loop3A_298 : f32 to vector<16xf32>
      %parallel_loop3A_300 = arith.mulf %parallel_loop3A_297, %parallel_loop3A_299 : vector<16xf32>
      %parallel_loop3A_301 = arith.constant 1.000000e+00 : f32
      %parallel_loop3A_302 = vector.broadcast %parallel_loop3A_301 : f32 to vector<16xf32>
      %parallel_loop3A_303 = arith.addf %parallel_loop3A_300, %parallel_loop3A_302 : vector<16xf32>
      %parallel_loop3A_304 = arith.constant 1.000000e+00 : f32
      %parallel_loop3A_305 = vector.broadcast %parallel_loop3A_304 : f32 to vector<16xf32>
      %parallel_loop3A_306 = arith.maximumf %parallel_loop3A_303, %parallel_loop3A_305 : vector<16xf32>
      %parallel_loop3A_307 = arith.constant 0x497FFC00 : f32
      %parallel_loop3A_308 = vector.broadcast %parallel_loop3A_307 : f32 to vector<16xf32>
      %parallel_loop3A_309 = arith.minimumf %parallel_loop3A_306, %parallel_loop3A_308 : vector<16xf32>
      %parallel_loop3A_310 = arith.fptosi %parallel_loop3A_309 : vector<16xf32> to vector<16xi32>
      %parallel_loop3A_311 = arith.index_cast %parallel_loop3A_294 : i32 to index
      %parallel_loop3A_312 = tpu.vector_load %arg8[%parallel_loop3A_311] {strides = array<i32>} : memref<4096xi32, #tpu.memory_space<vmem>>, vector<16xi32>,
      %parallel_loop3A_313 = vector.shape_cast %parallel_loop3A_312 : vector<16xi32> to vector<16xi32>
      %parallel_loop3A_314 = vector.shape_cast %parallel_loop3A_310 : vector<16xi32> to vector<16xi32>
      tpu.vector_store %arg8[%parallel_loop3A_311], %parallel_loop3A_314 {strides = array<i32>} : memref<4096xi32, #tpu.memory_space<vmem>>, vector<16xi32>,
    } {sc.loop_unroll_factor = 8 : i64, sc.parallel_access}
    %add3A_35 = arith.constant 12288 : i32
    %add3A_36 = arith.addi %mul3A_2, %add3A_35 : i32
    %dma_start3A_37 = arith.constant 1 : i32
    %dma_start3A_38 = tpu.memref_slice %arg3[%add3A_36] : memref<1048576xf32, #tpu.memory_space<hbm>> -> memref<4096xf32, #tpu.memory_space<hbm>>
    %dma_start3A_39 = tpu.memref_slice %arg18[%dma_start3A_37] : memref<2x!tpu.dma_semaphore, #tpu.memory_space<semaphore_mem>> -> memref<1x!tpu.dma_semaphore, #tpu.memory_space<semaphore_mem>>
    %dma_start3A_40 = tpu.memref_squeeze %dma_start3A_39 : memref<1x!tpu.dma_semaphore, #tpu.memory_space<semaphore_mem>> -> memref<!tpu.dma_semaphore, #tpu.memory_space<semaphore_mem>>
    %dma_start3A_41 = tpu.memref_slice %arg3[%add3A_36] : memref<1048576xf32, #tpu.memory_space<hbm>> -> memref<4096xf32, #tpu.memory_space<hbm>>
    tpu.enqueue_dma source(%dma_start3A_41 : memref<4096xf32, #tpu.memory_space<hbm>>) target(%arg6 : memref<4096xf32, #tpu.memory_space<vmem>>) target_semaphore(%dma_start3A_40 : memref<!tpu.dma_semaphore, #tpu.memory_space<semaphore_mem>>)
    %dma_wait3A_42 = arith.constant 0 : i32
    %dma_wait3A_43 = tpu.memref_slice %arg3[%add3A_21] : memref<1048576xf32, #tpu.memory_space<hbm>> -> memref<4096xf32, #tpu.memory_space<hbm>>
    %dma_wait3A_44 = tpu.memref_slice %arg18[%dma_wait3A_42] : memref<2x!tpu.dma_semaphore, #tpu.memory_space<semaphore_mem>> -> memref<1x!tpu.dma_semaphore, #tpu.memory_space<semaphore_mem>>
    %dma_wait3A_45 = tpu.memref_squeeze %dma_wait3A_44 : memref<1x!tpu.dma_semaphore, #tpu.memory_space<semaphore_mem>> -> memref<!tpu.dma_semaphore, #tpu.memory_space<semaphore_mem>>
    %dma_wait3A_46 = tpu.memref_slice %arg3[%add3A_21] : memref<1048576xf32, #tpu.memory_space<hbm>> -> memref<4096xf32, #tpu.memory_space<hbm>>
    tpu.wait_dma2 semaphore(%dma_wait3A_45 : memref<!tpu.dma_semaphore, #tpu.memory_space<semaphore_mem>>) src(%dma_wait3A_46 : memref<4096xf32, #tpu.memory_space<hbm>>) dst(%arg5 : memref<4096xf32, #tpu.memory_space<vmem>>)
    %parallel_loop3A_47 = arith.constant 0 : i32
    %parallel_loop3A_48 = arith.constant 4096 : i32
    %parallel_loop3A_49 = arith.constant 16 : i32
    scf.for %parallel_loop3A_294 = %parallel_loop3A_47 to %parallel_loop3A_48 step %parallel_loop3A_49  : i32 {
      %parallel_loop3A_295 = arith.index_cast %parallel_loop3A_294 : i32 to index
      %parallel_loop3A_296 = tpu.vector_load %arg5[%parallel_loop3A_295] {strides = array<i32>} : memref<4096xf32, #tpu.memory_space<vmem>>, vector<16xf32>,
      %parallel_loop3A_297 = vector.shape_cast %parallel_loop3A_296 : vector<16xf32> to vector<16xf32>
      %parallel_loop3A_298 = arith.constant 0x497FFBF0 : f32
      %parallel_loop3A_299 = vector.broadcast %parallel_loop3A_298 : f32 to vector<16xf32>
      %parallel_loop3A_300 = arith.mulf %parallel_loop3A_297, %parallel_loop3A_299 : vector<16xf32>
      %parallel_loop3A_301 = arith.constant 1.000000e+00 : f32
      %parallel_loop3A_302 = vector.broadcast %parallel_loop3A_301 : f32 to vector<16xf32>
      %parallel_loop3A_303 = arith.addf %parallel_loop3A_300, %parallel_loop3A_302 : vector<16xf32>
      %parallel_loop3A_304 = arith.constant 1.000000e+00 : f32
      %parallel_loop3A_305 = vector.broadcast %parallel_loop3A_304 : f32 to vector<16xf32>
      %parallel_loop3A_306 = arith.maximumf %parallel_loop3A_303, %parallel_loop3A_305 : vector<16xf32>
      %parallel_loop3A_307 = arith.constant 0x497FFC00 : f32
      %parallel_loop3A_308 = vector.broadcast %parallel_loop3A_307 : f32 to vector<16xf32>
      %parallel_loop3A_309 = arith.minimumf %parallel_loop3A_306, %parallel_loop3A_308 : vector<16xf32>
      %parallel_loop3A_310 = arith.fptosi %parallel_loop3A_309 : vector<16xf32> to vector<16xi32>
      %parallel_loop3A_311 = arith.index_cast %parallel_loop3A_294 : i32 to index
      %parallel_loop3A_312 = tpu.vector_load %arg9[%parallel_loop3A_311] {strides = array<i32>} : memref<4096xi32, #tpu.memory_space<vmem>>, vector<16xi32>,
      %parallel_loop3A_313 = vector.shape_cast %parallel_loop3A_312 : vector<16xi32> to vector<16xi32>
      %parallel_loop3A_314 = vector.shape_cast %parallel_loop3A_310 : vector<16xi32> to vector<16xi32>
      tpu.vector_store %arg9[%parallel_loop3A_311], %parallel_loop3A_314 {strides = array<i32>} : memref<4096xi32, #tpu.memory_space<vmem>>, vector<16xi32>,
    } {sc.loop_unroll_factor = 8 : i64, sc.parallel_access}
    %add3A_50 = arith.constant 16384 : i32
    %add3A_51 = arith.addi %mul3A_2, %add3A_50 : i32
    %dma_start3A_52 = arith.constant 0 : i32
    %dma_start3A_53 = tpu.memref_slice %arg3[%add3A_51] : memref<1048576xf32, #tpu.memory_space<hbm>> -> memref<4096xf32, #tpu.memory_space<hbm>>
    %dma_start3A_54 = tpu.memref_slice %arg18[%dma_start3A_52] : memref<2x!tpu.dma_semaphore, #tpu.memory_space<semaphore_mem>> -> memref<1x!tpu.dma_semaphore, #tpu.memory_space<semaphore_mem>>
    %dma_start3A_55 = tpu.memref_squeeze %dma_start3A_54 : memref<1x!tpu.dma_semaphore, #tpu.memory_space<semaphore_mem>> -> memref<!tpu.dma_semaphore, #tpu.memory_space<semaphore_mem>>
    %dma_start3A_56 = tpu.memref_slice %arg3[%add3A_51] : memref<1048576xf32, #tpu.memory_space<hbm>> -> memref<4096xf32, #tpu.memory_space<hbm>>
    tpu.enqueue_dma source(%dma_start3A_56 : memref<4096xf32, #tpu.memory_space<hbm>>) target(%arg5 : memref<4096xf32, #tpu.memory_space<vmem>>) target_semaphore(%dma_start3A_55 : memref<!tpu.dma_semaphore, #tpu.memory_space<semaphore_mem>>)
    %dma_wait3A_57 = arith.constant 1 : i32
    %dma_wait3A_58 = tpu.memref_slice %arg3[%add3A_36] : memref<1048576xf32, #tpu.memory_space<hbm>> -> memref<4096xf32, #tpu.memory_space<hbm>>
    %dma_wait3A_59 = tpu.memref_slice %arg18[%dma_wait3A_57] : memref<2x!tpu.dma_semaphore, #tpu.memory_space<semaphore_mem>> -> memref<1x!tpu.dma_semaphore, #tpu.memory_space<semaphore_mem>>
    %dma_wait3A_60 = tpu.memref_squeeze %dma_wait3A_59 : memref<1x!tpu.dma_semaphore, #tpu.memory_space<semaphore_mem>> -> memref<!tpu.dma_semaphore, #tpu.memory_space<semaphore_mem>>
    %dma_wait3A_61 = tpu.memref_slice %arg3[%add3A_36] : memref<1048576xf32, #tpu.memory_space<hbm>> -> memref<4096xf32, #tpu.memory_space<hbm>>
    tpu.wait_dma2 semaphore(%dma_wait3A_60 : memref<!tpu.dma_semaphore, #tpu.memory_space<semaphore_mem>>) src(%dma_wait3A_61 : memref<4096xf32, #tpu.memory_space<hbm>>) dst(%arg6 : memref<4096xf32, #tpu.memory_space<vmem>>)
    %parallel_loop3A_62 = arith.constant 0 : i32
    %parallel_loop3A_63 = arith.constant 4096 : i32
    %parallel_loop3A_64 = arith.constant 16 : i32
    scf.for %parallel_loop3A_294 = %parallel_loop3A_62 to %parallel_loop3A_63 step %parallel_loop3A_64  : i32 {
      %parallel_loop3A_295 = arith.index_cast %parallel_loop3A_294 : i32 to index
      %parallel_loop3A_296 = tpu.vector_load %arg6[%parallel_loop3A_295] {strides = array<i32>} : memref<4096xf32, #tpu.memory_space<vmem>>, vector<16xf32>,
      %parallel_loop3A_297 = vector.shape_cast %parallel_loop3A_296 : vector<16xf32> to vector<16xf32>
      %parallel_loop3A_298 = arith.constant 0x497FFBF0 : f32
      %parallel_loop3A_299 = vector.broadcast %parallel_loop3A_298 : f32 to vector<16xf32>
      %parallel_loop3A_300 = arith.mulf %parallel_loop3A_297, %parallel_loop3A_299 : vector<16xf32>
      %parallel_loop3A_301 = arith.constant 1.000000e+00 : f32
      %parallel_loop3A_302 = vector.broadcast %parallel_loop3A_301 : f32 to vector<16xf32>
      %parallel_loop3A_303 = arith.addf %parallel_loop3A_300, %parallel_loop3A_302 : vector<16xf32>
      %parallel_loop3A_304 = arith.constant 1.000000e+00 : f32
      %parallel_loop3A_305 = vector.broadcast %parallel_loop3A_304 : f32 to vector<16xf32>
      %parallel_loop3A_306 = arith.maximumf %parallel_loop3A_303, %parallel_loop3A_305 : vector<16xf32>
      %parallel_loop3A_307 = arith.constant 0x497FFC00 : f32
      %parallel_loop3A_308 = vector.broadcast %parallel_loop3A_307 : f32 to vector<16xf32>
      %parallel_loop3A_309 = arith.minimumf %parallel_loop3A_306, %parallel_loop3A_308 : vector<16xf32>
      %parallel_loop3A_310 = arith.fptosi %parallel_loop3A_309 : vector<16xf32> to vector<16xi32>
      %parallel_loop3A_311 = arith.index_cast %parallel_loop3A_294 : i32 to index
      %parallel_loop3A_312 = tpu.vector_load %arg10[%parallel_loop3A_311] {strides = array<i32>} : memref<4096xi32, #tpu.memory_space<vmem>>, vector<16xi32>,
      %parallel_loop3A_313 = vector.shape_cast %parallel_loop3A_312 : vector<16xi32> to vector<16xi32>
      %parallel_loop3A_314 = vector.shape_cast %parallel_loop3A_310 : vector<16xi32> to vector<16xi32>
      tpu.vector_store %arg10[%parallel_loop3A_311], %parallel_loop3A_314 {strides = array<i32>} : memref<4096xi32, #tpu.memory_space<vmem>>, vector<16xi32>,
    } {sc.loop_unroll_factor = 8 : i64, sc.parallel_access}
    %add3A_65 = arith.constant 20480 : i32
    %add3A_66 = arith.addi %mul3A_2, %add3A_65 : i32
    %dma_start3A_67 = arith.constant 1 : i32
    %dma_start3A_68 = tpu.memref_slice %arg3[%add3A_66] : memref<1048576xf32, #tpu.memory_space<hbm>> -> memref<4096xf32, #tpu.memory_space<hbm>>
    %dma_start3A_69 = tpu.memref_slice %arg18[%dma_start3A_67] : memref<2x!tpu.dma_semaphore, #tpu.memory_space<semaphore_mem>> -> memref<1x!tpu.dma_semaphore, #tpu.memory_space<semaphore_mem>>
    %dma_start3A_70 = tpu.memref_squeeze %dma_start3A_69 : memref<1x!tpu.dma_semaphore, #tpu.memory_space<semaphore_mem>> -> memref<!tpu.dma_semaphore, #tpu.memory_space<semaphore_mem>>
    %dma_start3A_71 = tpu.memref_slice %arg3[%add3A_66] : memref<1048576xf32, #tpu.memory_space<hbm>> -> memref<4096xf32, #tpu.memory_space<hbm>>
    tpu.enqueue_dma source(%dma_start3A_71 : memref<4096xf32, #tpu.memory_space<hbm>>) target(%arg6 : memref<4096xf32, #tpu.memory_space<vmem>>) target_semaphore(%dma_start3A_70 : memref<!tpu.dma_semaphore, #tpu.memory_space<semaphore_mem>>)
    %dma_wait3A_72 = arith.constant 0 : i32
    %dma_wait3A_73 = tpu.memref_slice %arg3[%add3A_51] : memref<1048576xf32, #tpu.memory_space<hbm>> -> memref<4096xf32, #tpu.memory_space<hbm>>
    %dma_wait3A_74 = tpu.memref_slice %arg18[%dma_wait3A_72] : memref<2x!tpu.dma_semaphore, #tpu.memory_space<semaphore_mem>> -> memref<1x!tpu.dma_semaphore, #tpu.memory_space<semaphore_mem>>
    %dma_wait3A_75 = tpu.memref_squeeze %dma_wait3A_74 : memref<1x!tpu.dma_semaphore, #tpu.memory_space<semaphore_mem>> -> memref<!tpu.dma_semaphore, #tpu.memory_space<semaphore_mem>>
    %dma_wait3A_76 = tpu.memref_slice %arg3[%add3A_51] : memref<1048576xf32, #tpu.memory_space<hbm>> -> memref<4096xf32, #tpu.memory_space<hbm>>
    tpu.wait_dma2 semaphore(%dma_wait3A_75 : memref<!tpu.dma_semaphore, #tpu.memory_space<semaphore_mem>>) src(%dma_wait3A_76 : memref<4096xf32, #tpu.memory_space<hbm>>) dst(%arg5 : memref<4096xf32, #tpu.memory_space<vmem>>)
    %parallel_loop3A_77 = arith.constant 0 : i32
    %parallel_loop3A_78 = arith.constant 4096 : i32
    %parallel_loop3A_79 = arith.constant 16 : i32
    scf.for %parallel_loop3A_294 = %parallel_loop3A_77 to %parallel_loop3A_78 step %parallel_loop3A_79  : i32 {
      %parallel_loop3A_295 = arith.index_cast %parallel_loop3A_294 : i32 to index
      %parallel_loop3A_296 = tpu.vector_load %arg5[%parallel_loop3A_295] {strides = array<i32>} : memref<4096xf32, #tpu.memory_space<vmem>>, vector<16xf32>,
      %parallel_loop3A_297 = vector.shape_cast %parallel_loop3A_296 : vector<16xf32> to vector<16xf32>
      %parallel_loop3A_298 = arith.constant 0x497FFBF0 : f32
      %parallel_loop3A_299 = vector.broadcast %parallel_loop3A_298 : f32 to vector<16xf32>
      %parallel_loop3A_300 = arith.mulf %parallel_loop3A_297, %parallel_loop3A_299 : vector<16xf32>
      %parallel_loop3A_301 = arith.constant 1.000000e+00 : f32
      %parallel_loop3A_302 = vector.broadcast %parallel_loop3A_301 : f32 to vector<16xf32>
      %parallel_loop3A_303 = arith.addf %parallel_loop3A_300, %parallel_loop3A_302 : vector<16xf32>
      %parallel_loop3A_304 = arith.constant 1.000000e+00 : f32
      %parallel_loop3A_305 = vector.broadcast %parallel_loop3A_304 : f32 to vector<16xf32>
      %parallel_loop3A_306 = arith.maximumf %parallel_loop3A_303, %parallel_loop3A_305 : vector<16xf32>
      %parallel_loop3A_307 = arith.constant 0x497FFC00 : f32
      %parallel_loop3A_308 = vector.broadcast %parallel_loop3A_307 : f32 to vector<16xf32>
      %parallel_loop3A_309 = arith.minimumf %parallel_loop3A_306, %parallel_loop3A_308 : vector<16xf32>
      %parallel_loop3A_310 = arith.fptosi %parallel_loop3A_309 : vector<16xf32> to vector<16xi32>
      %parallel_loop3A_311 = arith.index_cast %parallel_loop3A_294 : i32 to index
      %parallel_loop3A_312 = tpu.vector_load %arg11[%parallel_loop3A_311] {strides = array<i32>} : memref<4096xi32, #tpu.memory_space<vmem>>, vector<16xi32>,
      %parallel_loop3A_313 = vector.shape_cast %parallel_loop3A_312 : vector<16xi32> to vector<16xi32>
      %parallel_loop3A_314 = vector.shape_cast %parallel_loop3A_310 : vector<16xi32> to vector<16xi32>
      tpu.vector_store %arg11[%parallel_loop3A_311], %parallel_loop3A_314 {strides = array<i32>} : memref<4096xi32, #tpu.memory_space<vmem>>, vector<16xi32>,
    } {sc.loop_unroll_factor = 8 : i64, sc.parallel_access}
    %add3A_80 = arith.constant 24576 : i32
    %add3A_81 = arith.addi %mul3A_2, %add3A_80 : i32
    %dma_start3A_82 = arith.constant 0 : i32
    %dma_start3A_83 = tpu.memref_slice %arg3[%add3A_81] : memref<1048576xf32, #tpu.memory_space<hbm>> -> memref<4096xf32, #tpu.memory_space<hbm>>
    %dma_start3A_84 = tpu.memref_slice %arg18[%dma_start3A_82] : memref<2x!tpu.dma_semaphore, #tpu.memory_space<semaphore_mem>> -> memref<1x!tpu.dma_semaphore, #tpu.memory_space<semaphore_mem>>
    %dma_start3A_85 = tpu.memref_squeeze %dma_start3A_84 : memref<1x!tpu.dma_semaphore, #tpu.memory_space<semaphore_mem>> -> memref<!tpu.dma_semaphore, #tpu.memory_space<semaphore_mem>>
    %dma_start3A_86 = tpu.memref_slice %arg3[%add3A_81] : memref<1048576xf32, #tpu.memory_space<hbm>> -> memref<4096xf32, #tpu.memory_space<hbm>>
    tpu.enqueue_dma source(%dma_start3A_86 : memref<4096xf32, #tpu.memory_space<hbm>>) target(%arg5 : memref<4096xf32, #tpu.memory_space<vmem>>) target_semaphore(%dma_start3A_85 : memref<!tpu.dma_semaphore, #tpu.memory_space<semaphore_mem>>)
    %dma_wait3A_87 = arith.constant 1 : i32
    %dma_wait3A_88 = tpu.memref_slice %arg3[%add3A_66] : memref<1048576xf32, #tpu.memory_space<hbm>> -> memref<4096xf32, #tpu.memory_space<hbm>>
    %dma_wait3A_89 = tpu.memref_slice %arg18[%dma_wait3A_87] : memref<2x!tpu.dma_semaphore, #tpu.memory_space<semaphore_mem>> -> memref<1x!tpu.dma_semaphore, #tpu.memory_space<semaphore_mem>>
    %dma_wait3A_90 = tpu.memref_squeeze %dma_wait3A_89 : memref<1x!tpu.dma_semaphore, #tpu.memory_space<semaphore_mem>> -> memref<!tpu.dma_semaphore, #tpu.memory_space<semaphore_mem>>
    %dma_wait3A_91 = tpu.memref_slice %arg3[%add3A_66] : memref<1048576xf32, #tpu.memory_space<hbm>> -> memref<4096xf32, #tpu.memory_space<hbm>>
    tpu.wait_dma2 semaphore(%dma_wait3A_90 : memref<!tpu.dma_semaphore, #tpu.memory_space<semaphore_mem>>) src(%dma_wait3A_91 : memref<4096xf32, #tpu.memory_space<hbm>>) dst(%arg6 : memref<4096xf32, #tpu.memory_space<vmem>>)
    %parallel_loop3A_92 = arith.constant 0 : i32
    %parallel_loop3A_93 = arith.constant 4096 : i32
    %parallel_loop3A_94 = arith.constant 16 : i32
    scf.for %parallel_loop3A_294 = %parallel_loop3A_92 to %parallel_loop3A_93 step %parallel_loop3A_94  : i32 {
      %parallel_loop3A_295 = arith.index_cast %parallel_loop3A_294 : i32 to index
      %parallel_loop3A_296 = tpu.vector_load %arg6[%parallel_loop3A_295] {strides = array<i32>} : memref<4096xf32, #tpu.memory_space<vmem>>, vector<16xf32>,
      %parallel_loop3A_297 = vector.shape_cast %parallel_loop3A_296 : vector<16xf32> to vector<16xf32>
      %parallel_loop3A_298 = arith.constant 0x497FFBF0 : f32
      %parallel_loop3A_299 = vector.broadcast %parallel_loop3A_298 : f32 to vector<16xf32>
      %parallel_loop3A_300 = arith.mulf %parallel_loop3A_297, %parallel_loop3A_299 : vector<16xf32>
      %parallel_loop3A_301 = arith.constant 1.000000e+00 : f32
      %parallel_loop3A_302 = vector.broadcast %parallel_loop3A_301 : f32 to vector<16xf32>
      %parallel_loop3A_303 = arith.addf %parallel_loop3A_300, %parallel_loop3A_302 : vector<16xf32>
      %parallel_loop3A_304 = arith.constant 1.000000e+00 : f32
      %parallel_loop3A_305 = vector.broadcast %parallel_loop3A_304 : f32 to vector<16xf32>
      %parallel_loop3A_306 = arith.maximumf %parallel_loop3A_303, %parallel_loop3A_305 : vector<16xf32>
      %parallel_loop3A_307 = arith.constant 0x497FFC00 : f32
      %parallel_loop3A_308 = vector.broadcast %parallel_loop3A_307 : f32 to vector<16xf32>
      %parallel_loop3A_309 = arith.minimumf %parallel_loop3A_306, %parallel_loop3A_308 : vector<16xf32>
      %parallel_loop3A_310 = arith.fptosi %parallel_loop3A_309 : vector<16xf32> to vector<16xi32>
      %parallel_loop3A_311 = arith.index_cast %parallel_loop3A_294 : i32 to index
      %parallel_loop3A_312 = tpu.vector_load %arg12[%parallel_loop3A_311] {strides = array<i32>} : memref<4096xi32, #tpu.memory_space<vmem>>, vector<16xi32>,
      %parallel_loop3A_313 = vector.shape_cast %parallel_loop3A_312 : vector<16xi32> to vector<16xi32>
      %parallel_loop3A_314 = vector.shape_cast %parallel_loop3A_310 : vector<16xi32> to vector<16xi32>
      tpu.vector_store %arg12[%parallel_loop3A_311], %parallel_loop3A_314 {strides = array<i32>} : memref<4096xi32, #tpu.memory_space<vmem>>, vector<16xi32>,
    } {sc.loop_unroll_factor = 8 : i64, sc.parallel_access}
    %add3A_95 = arith.constant 28672 : i32
    %add3A_96 = arith.addi %mul3A_2, %add3A_95 : i32
    %dma_start3A_97 = arith.constant 1 : i32
    %dma_start3A_98 = tpu.memref_slice %arg3[%add3A_96] : memref<1048576xf32, #tpu.memory_space<hbm>> -> memref<4096xf32, #tpu.memory_space<hbm>>
    %dma_start3A_99 = tpu.memref_slice %arg18[%dma_start3A_97] : memref<2x!tpu.dma_semaphore, #tpu.memory_space<semaphore_mem>> -> memref<1x!tpu.dma_semaphore, #tpu.memory_space<semaphore_mem>>
    %dma_start3A_100 = tpu.memref_squeeze %dma_start3A_99 : memref<1x!tpu.dma_semaphore, #tpu.memory_space<semaphore_mem>> -> memref<!tpu.dma_semaphore, #tpu.memory_space<semaphore_mem>>
    %dma_start3A_101 = tpu.memref_slice %arg3[%add3A_96] : memref<1048576xf32, #tpu.memory_space<hbm>> -> memref<4096xf32, #tpu.memory_space<hbm>>
    tpu.enqueue_dma source(%dma_start3A_101 : memref<4096xf32, #tpu.memory_space<hbm>>) target(%arg6 : memref<4096xf32, #tpu.memory_space<vmem>>) target_semaphore(%dma_start3A_100 : memref<!tpu.dma_semaphore, #tpu.memory_space<semaphore_mem>>)
    %dma_wait3A_102 = arith.constant 0 : i32
    %dma_wait3A_103 = tpu.memref_slice %arg3[%add3A_81] : memref<1048576xf32, #tpu.memory_space<hbm>> -> memref<4096xf32, #tpu.memory_space<hbm>>
    %dma_wait3A_104 = tpu.memref_slice %arg18[%dma_wait3A_102] : memref<2x!tpu.dma_semaphore, #tpu.memory_space<semaphore_mem>> -> memref<1x!tpu.dma_semaphore, #tpu.memory_space<semaphore_mem>>
    %dma_wait3A_105 = tpu.memref_squeeze %dma_wait3A_104 : memref<1x!tpu.dma_semaphore, #tpu.memory_space<semaphore_mem>> -> memref<!tpu.dma_semaphore, #tpu.memory_space<semaphore_mem>>
    %dma_wait3A_106 = tpu.memref_slice %arg3[%add3A_81] : memref<1048576xf32, #tpu.memory_space<hbm>> -> memref<4096xf32, #tpu.memory_space<hbm>>
    tpu.wait_dma2 semaphore(%dma_wait3A_105 : memref<!tpu.dma_semaphore, #tpu.memory_space<semaphore_mem>>) src(%dma_wait3A_106 : memref<4096xf32, #tpu.memory_space<hbm>>) dst(%arg5 : memref<4096xf32, #tpu.memory_space<vmem>>)
    %parallel_loop3A_107 = arith.constant 0 : i32
    %parallel_loop3A_108 = arith.constant 4096 : i32
    %parallel_loop3A_109 = arith.constant 16 : i32
    scf.for %parallel_loop3A_294 = %parallel_loop3A_107 to %parallel_loop3A_108 step %parallel_loop3A_109  : i32 {
      %parallel_loop3A_295 = arith.index_cast %parallel_loop3A_294 : i32 to index
      %parallel_loop3A_296 = tpu.vector_load %arg5[%parallel_loop3A_295] {strides = array<i32>} : memref<4096xf32, #tpu.memory_space<vmem>>, vector<16xf32>,
      %parallel_loop3A_297 = vector.shape_cast %parallel_loop3A_296 : vector<16xf32> to vector<16xf32>
      %parallel_loop3A_298 = arith.constant 0x497FFBF0 : f32
      %parallel_loop3A_299 = vector.broadcast %parallel_loop3A_298 : f32 to vector<16xf32>
      %parallel_loop3A_300 = arith.mulf %parallel_loop3A_297, %parallel_loop3A_299 : vector<16xf32>
      %parallel_loop3A_301 = arith.constant 1.000000e+00 : f32
      %parallel_loop3A_302 = vector.broadcast %parallel_loop3A_301 : f32 to vector<16xf32>
      %parallel_loop3A_303 = arith.addf %parallel_loop3A_300, %parallel_loop3A_302 : vector<16xf32>
      %parallel_loop3A_304 = arith.constant 1.000000e+00 : f32
      %parallel_loop3A_305 = vector.broadcast %parallel_loop3A_304 : f32 to vector<16xf32>
      %parallel_loop3A_306 = arith.maximumf %parallel_loop3A_303, %parallel_loop3A_305 : vector<16xf32>
      %parallel_loop3A_307 = arith.constant 0x497FFC00 : f32
      %parallel_loop3A_308 = vector.broadcast %parallel_loop3A_307 : f32 to vector<16xf32>
      %parallel_loop3A_309 = arith.minimumf %parallel_loop3A_306, %parallel_loop3A_308 : vector<16xf32>
      %parallel_loop3A_310 = arith.fptosi %parallel_loop3A_309 : vector<16xf32> to vector<16xi32>
      %parallel_loop3A_311 = arith.index_cast %parallel_loop3A_294 : i32 to index
      %parallel_loop3A_312 = tpu.vector_load %arg13[%parallel_loop3A_311] {strides = array<i32>} : memref<4096xi32, #tpu.memory_space<vmem>>, vector<16xi32>,
      %parallel_loop3A_313 = vector.shape_cast %parallel_loop3A_312 : vector<16xi32> to vector<16xi32>
      %parallel_loop3A_314 = vector.shape_cast %parallel_loop3A_310 : vector<16xi32> to vector<16xi32>
      tpu.vector_store %arg13[%parallel_loop3A_311], %parallel_loop3A_314 {strides = array<i32>} : memref<4096xi32, #tpu.memory_space<vmem>>, vector<16xi32>,
    } {sc.loop_unroll_factor = 8 : i64, sc.parallel_access}
    %dma_wait3A_110 = arith.constant 1 : i32
    %dma_wait3A_111 = tpu.memref_slice %arg3[%add3A_96] : memref<1048576xf32, #tpu.memory_space<hbm>> -> memref<4096xf32, #tpu.memory_space<hbm>>
    %dma_wait3A_112 = tpu.memref_slice %arg18[%dma_wait3A_110] : memref<2x!tpu.dma_semaphore, #tpu.memory_space<semaphore_mem>> -> memref<1x!tpu.dma_semaphore, #tpu.memory_space<semaphore_mem>>
    %dma_wait3A_113 = tpu.memref_squeeze %dma_wait3A_112 : memref<1x!tpu.dma_semaphore, #tpu.memory_space<semaphore_mem>> -> memref<!tpu.dma_semaphore, #tpu.memory_space<semaphore_mem>>
    %dma_wait3A_114 = tpu.memref_slice %arg3[%add3A_96] : memref<1048576xf32, #tpu.memory_space<hbm>> -> memref<4096xf32, #tpu.memory_space<hbm>>
    tpu.wait_dma2 semaphore(%dma_wait3A_113 : memref<!tpu.dma_semaphore, #tpu.memory_space<semaphore_mem>>) src(%dma_wait3A_114 : memref<4096xf32, #tpu.memory_space<hbm>>) dst(%arg6 : memref<4096xf32, #tpu.memory_space<vmem>>)
    %parallel_loop3A_115 = arith.constant 0 : i32
    %parallel_loop3A_116 = arith.constant 4096 : i32
    %parallel_loop3A_117 = arith.constant 16 : i32
    scf.for %parallel_loop3A_294 = %parallel_loop3A_115 to %parallel_loop3A_116 step %parallel_loop3A_117  : i32 {
      %parallel_loop3A_295 = arith.index_cast %parallel_loop3A_294 : i32 to index
      %parallel_loop3A_296 = tpu.vector_load %arg6[%parallel_loop3A_295] {strides = array<i32>} : memref<4096xf32, #tpu.memory_space<vmem>>, vector<16xf32>,
      %parallel_loop3A_297 = vector.shape_cast %parallel_loop3A_296 : vector<16xf32> to vector<16xf32>
      %parallel_loop3A_298 = arith.constant 0x497FFBF0 : f32
      %parallel_loop3A_299 = vector.broadcast %parallel_loop3A_298 : f32 to vector<16xf32>
      %parallel_loop3A_300 = arith.mulf %parallel_loop3A_297, %parallel_loop3A_299 : vector<16xf32>
      %parallel_loop3A_301 = arith.constant 1.000000e+00 : f32
      %parallel_loop3A_302 = vector.broadcast %parallel_loop3A_301 : f32 to vector<16xf32>
      %parallel_loop3A_303 = arith.addf %parallel_loop3A_300, %parallel_loop3A_302 : vector<16xf32>
      %parallel_loop3A_304 = arith.constant 1.000000e+00 : f32
      %parallel_loop3A_305 = vector.broadcast %parallel_loop3A_304 : f32 to vector<16xf32>
      %parallel_loop3A_306 = arith.maximumf %parallel_loop3A_303, %parallel_loop3A_305 : vector<16xf32>
      %parallel_loop3A_307 = arith.constant 0x497FFC00 : f32
      %parallel_loop3A_308 = vector.broadcast %parallel_loop3A_307 : f32 to vector<16xf32>
      %parallel_loop3A_309 = arith.minimumf %parallel_loop3A_306, %parallel_loop3A_308 : vector<16xf32>
      %parallel_loop3A_310 = arith.fptosi %parallel_loop3A_309 : vector<16xf32> to vector<16xi32>
      %parallel_loop3A_311 = arith.index_cast %parallel_loop3A_294 : i32 to index
      %parallel_loop3A_312 = tpu.vector_load %arg14[%parallel_loop3A_311] {strides = array<i32>} : memref<4096xi32, #tpu.memory_space<vmem>>, vector<16xi32>,
      %parallel_loop3A_313 = vector.shape_cast %parallel_loop3A_312 : vector<16xi32> to vector<16xi32>
      %parallel_loop3A_314 = vector.shape_cast %parallel_loop3A_310 : vector<16xi32> to vector<16xi32>
      tpu.vector_store %arg14[%parallel_loop3A_311], %parallel_loop3A_314 {strides = array<i32>} : memref<4096xi32, #tpu.memory_space<vmem>>, vector<16xi32>,
    } {sc.loop_unroll_factor = 8 : i64, sc.parallel_access}
    %dma_start3A_118 = arith.constant 0 : i32
    %dma_start3A_119 = arith.constant 0 : i32
    %dma_start3A_120 = tpu.memref_slice %arg2[%dma_start3A_119] : memref<1048576xf32, #tpu.memory_space<hbm>> -> memref<1048576xf32, #tpu.memory_space<hbm>>
    %dma_start3A_121 = tpu.memref_slice %arg19[%dma_start3A_118] : memref<3x!tpu.dma_semaphore, #tpu.memory_space<semaphore_mem>> -> memref<1x!tpu.dma_semaphore, #tpu.memory_space<semaphore_mem>>
    %dma_start3A_122 = tpu.memref_squeeze %dma_start3A_121 : memref<1x!tpu.dma_semaphore, #tpu.memory_space<semaphore_mem>> -> memref<!tpu.dma_semaphore, #tpu.memory_space<semaphore_mem>>
    tpu.enqueue_indirect_dma source(%dma_start3A_120 : memref<1048576xf32, #tpu.memory_space<hbm>>) target(%arg15 : memref<4096xf32, #tpu.memory_space<vmem>>) offsets(%arg7 : memref<4096xi32, #tpu.memory_space<vmem>>) semaphore(%dma_start3A_122 : memref<!tpu.dma_semaphore, #tpu.memory_space<semaphore_mem>>)
    %dma_start3A_123 = arith.constant 1 : i32
    %dma_start3A_124 = arith.constant 0 : i32
    %dma_start3A_125 = tpu.memref_slice %arg2[%dma_start3A_124] : memref<1048576xf32, #tpu.memory_space<hbm>> -> memref<1048576xf32, #tpu.memory_space<hbm>>
    %dma_start3A_126 = tpu.memref_slice %arg19[%dma_start3A_123] : memref<3x!tpu.dma_semaphore, #tpu.memory_space<semaphore_mem>> -> memref<1x!tpu.dma_semaphore, #tpu.memory_space<semaphore_mem>>
    %dma_start3A_127 = tpu.memref_squeeze %dma_start3A_126 : memref<1x!tpu.dma_semaphore, #tpu.memory_space<semaphore_mem>> -> memref<!tpu.dma_semaphore, #tpu.memory_space<semaphore_mem>>
    tpu.enqueue_indirect_dma source(%dma_start3A_125 : memref<1048576xf32, #tpu.memory_space<hbm>>) target(%arg16 : memref<4096xf32, #tpu.memory_space<vmem>>) offsets(%arg8 : memref<4096xi32, #tpu.memory_space<vmem>>) semaphore(%dma_start3A_127 : memref<!tpu.dma_semaphore, #tpu.memory_space<semaphore_mem>>)
    %dma_wait3A_128 = arith.constant 0 : i32
    %dma_wait3A_129 = arith.constant 0 : i32
    %dma_wait3A_130 = tpu.memref_slice %arg2[%dma_wait3A_129] : memref<1048576xf32, #tpu.memory_space<hbm>> -> memref<1048576xf32, #tpu.memory_space<hbm>>
    %dma_wait3A_131 = tpu.memref_slice %arg19[%dma_wait3A_128] : memref<3x!tpu.dma_semaphore, #tpu.memory_space<semaphore_mem>> -> memref<1x!tpu.dma_semaphore, #tpu.memory_space<semaphore_mem>>
    %dma_wait3A_132 = tpu.memref_squeeze %dma_wait3A_131 : memref<1x!tpu.dma_semaphore, #tpu.memory_space<semaphore_mem>> -> memref<!tpu.dma_semaphore, #tpu.memory_space<semaphore_mem>>
    tpu.wait_indirect_dma semaphore(%dma_wait3A_132 : memref<!tpu.dma_semaphore, #tpu.memory_space<semaphore_mem>>) src(%dma_wait3A_130 : memref<1048576xf32, #tpu.memory_space<hbm>>) dst(%arg15 : memref<4096xf32, #tpu.memory_space<vmem>>)
    %add3A_133 = arith.constant 0 : i32
    %add3A_134 = arith.addi %mul3A_2, %add3A_133 : i32
    %dma_start3A_135 = arith.constant 0 : i32
    %dma_start3A_136 = tpu.memref_slice %arg4[%add3A_134] : memref<1048576xf32, #tpu.memory_space<hbm>> -> memref<4096xf32, #tpu.memory_space<hbm>>
    %dma_start3A_137 = tpu.memref_slice %arg20[%dma_start3A_135] : memref<3x!tpu.dma_semaphore, #tpu.memory_space<semaphore_mem>> -> memref<1x!tpu.dma_semaphore, #tpu.memory_space<semaphore_mem>>
    %dma_start3A_138 = tpu.memref_squeeze %dma_start3A_137 : memref<1x!tpu.dma_semaphore, #tpu.memory_space<semaphore_mem>> -> memref<!tpu.dma_semaphore, #tpu.memory_space<semaphore_mem>>
    %dma_start3A_139 = tpu.memref_slice %arg4[%add3A_134] : memref<1048576xf32, #tpu.memory_space<hbm>> -> memref<4096xf32, #tpu.memory_space<hbm>>
    tpu.enqueue_dma source(%arg15 : memref<4096xf32, #tpu.memory_space<vmem>>) target(%dma_start3A_139 : memref<4096xf32, #tpu.memory_space<hbm>>) target_semaphore(%dma_start3A_138 : memref<!tpu.dma_semaphore, #tpu.memory_space<semaphore_mem>>)
    %dma_start3A_140 = arith.constant 2 : i32
    %dma_start3A_141 = arith.constant 0 : i32
    %dma_start3A_142 = tpu.memref_slice %arg2[%dma_start3A_141] : memref<1048576xf32, #tpu.memory_space<hbm>> -> memref<1048576xf32, #tpu.memory_space<hbm>>
    %dma_start3A_143 = tpu.memref_slice %arg19[%dma_start3A_140] : memref<3x!tpu.dma_semaphore, #tpu.memory_space<semaphore_mem>> -> memref<1x!tpu.dma_semaphore, #tpu.memory_space<semaphore_mem>>
    %dma_start3A_144 = tpu.memref_squeeze %dma_start3A_143 : memref<1x!tpu.dma_semaphore, #tpu.memory_space<semaphore_mem>> -> memref<!tpu.dma_semaphore, #tpu.memory_space<semaphore_mem>>
    tpu.enqueue_indirect_dma source(%dma_start3A_142 : memref<1048576xf32, #tpu.memory_space<hbm>>) target(%arg17 : memref<4096xf32, #tpu.memory_space<vmem>>) offsets(%arg9 : memref<4096xi32, #tpu.memory_space<vmem>>) semaphore(%dma_start3A_144 : memref<!tpu.dma_semaphore, #tpu.memory_space<semaphore_mem>>)
    %dma_wait3A_145 = arith.constant 1 : i32
    %dma_wait3A_146 = arith.constant 0 : i32
    %dma_wait3A_147 = tpu.memref_slice %arg2[%dma_wait3A_146] : memref<1048576xf32, #tpu.memory_space<hbm>> -> memref<1048576xf32, #tpu.memory_space<hbm>>
    %dma_wait3A_148 = tpu.memref_slice %arg19[%dma_wait3A_145] : memref<3x!tpu.dma_semaphore, #tpu.memory_space<semaphore_mem>> -> memref<1x!tpu.dma_semaphore, #tpu.memory_space<semaphore_mem>>
    %dma_wait3A_149 = tpu.memref_squeeze %dma_wait3A_148 : memref<1x!tpu.dma_semaphore, #tpu.memory_space<semaphore_mem>> -> memref<!tpu.dma_semaphore, #tpu.memory_space<semaphore_mem>>
    tpu.wait_indirect_dma semaphore(%dma_wait3A_149 : memref<!tpu.dma_semaphore, #tpu.memory_space<semaphore_mem>>) src(%dma_wait3A_147 : memref<1048576xf32, #tpu.memory_space<hbm>>) dst(%arg16 : memref<4096xf32, #tpu.memory_space<vmem>>)
    %add3A_150 = arith.constant 4096 : i32
    %add3A_151 = arith.addi %mul3A_2, %add3A_150 : i32
    %dma_start3A_152 = arith.constant 1 : i32
    %dma_start3A_153 = tpu.memref_slice %arg4[%add3A_151] : memref<1048576xf32, #tpu.memory_space<hbm>> -> memref<4096xf32, #tpu.memory_space<hbm>>
    %dma_start3A_154 = tpu.memref_slice %arg20[%dma_start3A_152] : memref<3x!tpu.dma_semaphore, #tpu.memory_space<semaphore_mem>> -> memref<1x!tpu.dma_semaphore, #tpu.memory_space<semaphore_mem>>
    %dma_start3A_155 = tpu.memref_squeeze %dma_start3A_154 : memref<1x!tpu.dma_semaphore, #tpu.memory_space<semaphore_mem>> -> memref<!tpu.dma_semaphore, #tpu.memory_space<semaphore_mem>>
    %dma_start3A_156 = tpu.memref_slice %arg4[%add3A_151] : memref<1048576xf32, #tpu.memory_space<hbm>> -> memref<4096xf32, #tpu.memory_space<hbm>>
    tpu.enqueue_dma source(%arg16 : memref<4096xf32, #tpu.memory_space<vmem>>) target(%dma_start3A_156 : memref<4096xf32, #tpu.memory_space<hbm>>) target_semaphore(%dma_start3A_155 : memref<!tpu.dma_semaphore, #tpu.memory_space<semaphore_mem>>)
    %dma_wait3A_157 = arith.constant 0 : i32
    %dma_wait3A_158 = tpu.memref_slice %arg4[%add3A_134] : memref<1048576xf32, #tpu.memory_space<hbm>> -> memref<4096xf32, #tpu.memory_space<hbm>>
    %dma_wait3A_159 = tpu.memref_slice %arg20[%dma_wait3A_157] : memref<3x!tpu.dma_semaphore, #tpu.memory_space<semaphore_mem>> -> memref<1x!tpu.dma_semaphore, #tpu.memory_space<semaphore_mem>>
    %dma_wait3A_160 = tpu.memref_squeeze %dma_wait3A_159 : memref<1x!tpu.dma_semaphore, #tpu.memory_space<semaphore_mem>> -> memref<!tpu.dma_semaphore, #tpu.memory_space<semaphore_mem>>
    %dma_wait3A_161 = tpu.memref_slice %arg4[%add3A_134] : memref<1048576xf32, #tpu.memory_space<hbm>> -> memref<4096xf32, #tpu.memory_space<hbm>>
    tpu.wait_dma2 semaphore(%dma_wait3A_160 : memref<!tpu.dma_semaphore, #tpu.memory_space<semaphore_mem>>) src(%arg15 : memref<4096xf32, #tpu.memory_space<vmem>>) dst(%dma_wait3A_161 : memref<4096xf32, #tpu.memory_space<hbm>>)
    %dma_start3A_162 = arith.constant 0 : i32
    %dma_start3A_163 = arith.constant 0 : i32
    %dma_start3A_164 = tpu.memref_slice %arg2[%dma_start3A_163] : memref<1048576xf32, #tpu.memory_space<hbm>> -> memref<1048576xf32, #tpu.memory_space<hbm>>
    %dma_start3A_165 = tpu.memref_slice %arg19[%dma_start3A_162] : memref<3x!tpu.dma_semaphore, #tpu.memory_space<semaphore_mem>> -> memref<1x!tpu.dma_semaphore, #tpu.memory_space<semaphore_mem>>
    %dma_start3A_166 = tpu.memref_squeeze %dma_start3A_165 : memref<1x!tpu.dma_semaphore, #tpu.memory_space<semaphore_mem>> -> memref<!tpu.dma_semaphore, #tpu.memory_space<semaphore_mem>>
    tpu.enqueue_indirect_dma source(%dma_start3A_164 : memref<1048576xf32, #tpu.memory_space<hbm>>) target(%arg15 : memref<4096xf32, #tpu.memory_space<vmem>>) offsets(%arg10 : memref<4096xi32, #tpu.memory_space<vmem>>) semaphore(%dma_start3A_166 : memref<!tpu.dma_semaphore, #tpu.memory_space<semaphore_mem>>)
    %dma_wait3A_167 = arith.constant 2 : i32
    %dma_wait3A_168 = arith.constant 0 : i32
    %dma_wait3A_169 = tpu.memref_slice %arg2[%dma_wait3A_168] : memref<1048576xf32, #tpu.memory_space<hbm>> -> memref<1048576xf32, #tpu.memory_space<hbm>>
    %dma_wait3A_170 = tpu.memref_slice %arg19[%dma_wait3A_167] : memref<3x!tpu.dma_semaphore, #tpu.memory_space<semaphore_mem>> -> memref<1x!tpu.dma_semaphore, #tpu.memory_space<semaphore_mem>>
    %dma_wait3A_171 = tpu.memref_squeeze %dma_wait3A_170 : memref<1x!tpu.dma_semaphore, #tpu.memory_space<semaphore_mem>> -> memref<!tpu.dma_semaphore, #tpu.memory_space<semaphore_mem>>
    tpu.wait_indirect_dma semaphore(%dma_wait3A_171 : memref<!tpu.dma_semaphore, #tpu.memory_space<semaphore_mem>>) src(%dma_wait3A_169 : memref<1048576xf32, #tpu.memory_space<hbm>>) dst(%arg17 : memref<4096xf32, #tpu.memory_space<vmem>>)
    %add3A_172 = arith.constant 8192 : i32
    %add3A_173 = arith.addi %mul3A_2, %add3A_172 : i32
    %dma_start3A_174 = arith.constant 2 : i32
    %dma_start3A_175 = tpu.memref_slice %arg4[%add3A_173] : memref<1048576xf32, #tpu.memory_space<hbm>> -> memref<4096xf32, #tpu.memory_space<hbm>>
    %dma_start3A_176 = tpu.memref_slice %arg20[%dma_start3A_174] : memref<3x!tpu.dma_semaphore, #tpu.memory_space<semaphore_mem>> -> memref<1x!tpu.dma_semaphore, #tpu.memory_space<semaphore_mem>>
    %dma_start3A_177 = tpu.memref_squeeze %dma_start3A_176 : memref<1x!tpu.dma_semaphore, #tpu.memory_space<semaphore_mem>> -> memref<!tpu.dma_semaphore, #tpu.memory_space<semaphore_mem>>
    %dma_start3A_178 = tpu.memref_slice %arg4[%add3A_173] : memref<1048576xf32, #tpu.memory_space<hbm>> -> memref<4096xf32, #tpu.memory_space<hbm>>
    tpu.enqueue_dma source(%arg17 : memref<4096xf32, #tpu.memory_space<vmem>>) target(%dma_start3A_178 : memref<4096xf32, #tpu.memory_space<hbm>>) target_semaphore(%dma_start3A_177 : memref<!tpu.dma_semaphore, #tpu.memory_space<semaphore_mem>>)
    %dma_wait3A_179 = arith.constant 1 : i32
    %dma_wait3A_180 = tpu.memref_slice %arg4[%add3A_151] : memref<1048576xf32, #tpu.memory_space<hbm>> -> memref<4096xf32, #tpu.memory_space<hbm>>
    %dma_wait3A_181 = tpu.memref_slice %arg20[%dma_wait3A_179] : memref<3x!tpu.dma_semaphore, #tpu.memory_space<semaphore_mem>> -> memref<1x!tpu.dma_semaphore, #tpu.memory_space<semaphore_mem>>
    %dma_wait3A_182 = tpu.memref_squeeze %dma_wait3A_181 : memref<1x!tpu.dma_semaphore, #tpu.memory_space<semaphore_mem>> -> memref<!tpu.dma_semaphore, #tpu.memory_space<semaphore_mem>>
    %dma_wait3A_183 = tpu.memref_slice %arg4[%add3A_151] : memref<1048576xf32, #tpu.memory_space<hbm>> -> memref<4096xf32, #tpu.memory_space<hbm>>
    tpu.wait_dma2 semaphore(%dma_wait3A_182 : memref<!tpu.dma_semaphore, #tpu.memory_space<semaphore_mem>>) src(%arg16 : memref<4096xf32, #tpu.memory_space<vmem>>) dst(%dma_wait3A_183 : memref<4096xf32, #tpu.memory_space<hbm>>)
    %dma_start3A_184 = arith.constant 1 : i32
    %dma_start3A_185 = arith.constant 0 : i32
    %dma_start3A_186 = tpu.memref_slice %arg2[%dma_start3A_185] : memref<1048576xf32, #tpu.memory_space<hbm>> -> memref<1048576xf32, #tpu.memory_space<hbm>>
    %dma_start3A_187 = tpu.memref_slice %arg19[%dma_start3A_184] : memref<3x!tpu.dma_semaphore, #tpu.memory_space<semaphore_mem>> -> memref<1x!tpu.dma_semaphore, #tpu.memory_space<semaphore_mem>>
    %dma_start3A_188 = tpu.memref_squeeze %dma_start3A_187 : memref<1x!tpu.dma_semaphore, #tpu.memory_space<semaphore_mem>> -> memref<!tpu.dma_semaphore, #tpu.memory_space<semaphore_mem>>
    tpu.enqueue_indirect_dma source(%dma_start3A_186 : memref<1048576xf32, #tpu.memory_space<hbm>>) target(%arg16 : memref<4096xf32, #tpu.memory_space<vmem>>) offsets(%arg11 : memref<4096xi32, #tpu.memory_space<vmem>>) semaphore(%dma_start3A_188 : memref<!tpu.dma_semaphore, #tpu.memory_space<semaphore_mem>>)
    %dma_wait3A_189 = arith.constant 0 : i32
    %dma_wait3A_190 = arith.constant 0 : i32
    %dma_wait3A_191 = tpu.memref_slice %arg2[%dma_wait3A_190] : memref<1048576xf32, #tpu.memory_space<hbm>> -> memref<1048576xf32, #tpu.memory_space<hbm>>
    %dma_wait3A_192 = tpu.memref_slice %arg19[%dma_wait3A_189] : memref<3x!tpu.dma_semaphore, #tpu.memory_space<semaphore_mem>> -> memref<1x!tpu.dma_semaphore, #tpu.memory_space<semaphore_mem>>
    %dma_wait3A_193 = tpu.memref_squeeze %dma_wait3A_192 : memref<1x!tpu.dma_semaphore, #tpu.memory_space<semaphore_mem>> -> memref<!tpu.dma_semaphore, #tpu.memory_space<semaphore_mem>>
    tpu.wait_indirect_dma semaphore(%dma_wait3A_193 : memref<!tpu.dma_semaphore, #tpu.memory_space<semaphore_mem>>) src(%dma_wait3A_191 : memref<1048576xf32, #tpu.memory_space<hbm>>) dst(%arg15 : memref<4096xf32, #tpu.memory_space<vmem>>)
    %add3A_194 = arith.constant 12288 : i32
    %add3A_195 = arith.addi %mul3A_2, %add3A_194 : i32
    %dma_start3A_196 = arith.constant 0 : i32
    %dma_start3A_197 = tpu.memref_slice %arg4[%add3A_195] : memref<1048576xf32, #tpu.memory_space<hbm>> -> memref<4096xf32, #tpu.memory_space<hbm>>
    %dma_start3A_198 = tpu.memref_slice %arg20[%dma_start3A_196] : memref<3x!tpu.dma_semaphore, #tpu.memory_space<semaphore_mem>> -> memref<1x!tpu.dma_semaphore, #tpu.memory_space<semaphore_mem>>
    %dma_start3A_199 = tpu.memref_squeeze %dma_start3A_198 : memref<1x!tpu.dma_semaphore, #tpu.memory_space<semaphore_mem>> -> memref<!tpu.dma_semaphore, #tpu.memory_space<semaphore_mem>>
    %dma_start3A_200 = tpu.memref_slice %arg4[%add3A_195] : memref<1048576xf32, #tpu.memory_space<hbm>> -> memref<4096xf32, #tpu.memory_space<hbm>>
    tpu.enqueue_dma source(%arg15 : memref<4096xf32, #tpu.memory_space<vmem>>) target(%dma_start3A_200 : memref<4096xf32, #tpu.memory_space<hbm>>) target_semaphore(%dma_start3A_199 : memref<!tpu.dma_semaphore, #tpu.memory_space<semaphore_mem>>)
    %dma_wait3A_201 = arith.constant 2 : i32
    %dma_wait3A_202 = tpu.memref_slice %arg4[%add3A_173] : memref<1048576xf32, #tpu.memory_space<hbm>> -> memref<4096xf32, #tpu.memory_space<hbm>>
    %dma_wait3A_203 = tpu.memref_slice %arg20[%dma_wait3A_201] : memref<3x!tpu.dma_semaphore, #tpu.memory_space<semaphore_mem>> -> memref<1x!tpu.dma_semaphore, #tpu.memory_space<semaphore_mem>>
    %dma_wait3A_204 = tpu.memref_squeeze %dma_wait3A_203 : memref<1x!tpu.dma_semaphore, #tpu.memory_space<semaphore_mem>> -> memref<!tpu.dma_semaphore, #tpu.memory_space<semaphore_mem>>
    %dma_wait3A_205 = tpu.memref_slice %arg4[%add3A_173] : memref<1048576xf32, #tpu.memory_space<hbm>> -> memref<4096xf32, #tpu.memory_space<hbm>>
    tpu.wait_dma2 semaphore(%dma_wait3A_204 : memref<!tpu.dma_semaphore, #tpu.memory_space<semaphore_mem>>) src(%arg17 : memref<4096xf32, #tpu.memory_space<vmem>>) dst(%dma_wait3A_205 : memref<4096xf32, #tpu.memory_space<hbm>>)
    %dma_start3A_206 = arith.constant 2 : i32
    %dma_start3A_207 = arith.constant 0 : i32
    %dma_start3A_208 = tpu.memref_slice %arg2[%dma_start3A_207] : memref<1048576xf32, #tpu.memory_space<hbm>> -> memref<1048576xf32, #tpu.memory_space<hbm>>
    %dma_start3A_209 = tpu.memref_slice %arg19[%dma_start3A_206] : memref<3x!tpu.dma_semaphore, #tpu.memory_space<semaphore_mem>> -> memref<1x!tpu.dma_semaphore, #tpu.memory_space<semaphore_mem>>
    %dma_start3A_210 = tpu.memref_squeeze %dma_start3A_209 : memref<1x!tpu.dma_semaphore, #tpu.memory_space<semaphore_mem>> -> memref<!tpu.dma_semaphore, #tpu.memory_space<semaphore_mem>>
    tpu.enqueue_indirect_dma source(%dma_start3A_208 : memref<1048576xf32, #tpu.memory_space<hbm>>) target(%arg17 : memref<4096xf32, #tpu.memory_space<vmem>>) offsets(%arg12 : memref<4096xi32, #tpu.memory_space<vmem>>) semaphore(%dma_start3A_210 : memref<!tpu.dma_semaphore, #tpu.memory_space<semaphore_mem>>)
    %dma_wait3A_211 = arith.constant 1 : i32
    %dma_wait3A_212 = arith.constant 0 : i32
    %dma_wait3A_213 = tpu.memref_slice %arg2[%dma_wait3A_212] : memref<1048576xf32, #tpu.memory_space<hbm>> -> memref<1048576xf32, #tpu.memory_space<hbm>>
    %dma_wait3A_214 = tpu.memref_slice %arg19[%dma_wait3A_211] : memref<3x!tpu.dma_semaphore, #tpu.memory_space<semaphore_mem>> -> memref<1x!tpu.dma_semaphore, #tpu.memory_space<semaphore_mem>>
    %dma_wait3A_215 = tpu.memref_squeeze %dma_wait3A_214 : memref<1x!tpu.dma_semaphore, #tpu.memory_space<semaphore_mem>> -> memref<!tpu.dma_semaphore, #tpu.memory_space<semaphore_mem>>
    tpu.wait_indirect_dma semaphore(%dma_wait3A_215 : memref<!tpu.dma_semaphore, #tpu.memory_space<semaphore_mem>>) src(%dma_wait3A_213 : memref<1048576xf32, #tpu.memory_space<hbm>>) dst(%arg16 : memref<4096xf32, #tpu.memory_space<vmem>>)
    %add3A_216 = arith.constant 16384 : i32
    %add3A_217 = arith.addi %mul3A_2, %add3A_216 : i32
    %dma_start3A_218 = arith.constant 1 : i32
    %dma_start3A_219 = tpu.memref_slice %arg4[%add3A_217] : memref<1048576xf32, #tpu.memory_space<hbm>> -> memref<4096xf32, #tpu.memory_space<hbm>>
    %dma_start3A_220 = tpu.memref_slice %arg20[%dma_start3A_218] : memref<3x!tpu.dma_semaphore, #tpu.memory_space<semaphore_mem>> -> memref<1x!tpu.dma_semaphore, #tpu.memory_space<semaphore_mem>>
    %dma_start3A_221 = tpu.memref_squeeze %dma_start3A_220 : memref<1x!tpu.dma_semaphore, #tpu.memory_space<semaphore_mem>> -> memref<!tpu.dma_semaphore, #tpu.memory_space<semaphore_mem>>
    %dma_start3A_222 = tpu.memref_slice %arg4[%add3A_217] : memref<1048576xf32, #tpu.memory_space<hbm>> -> memref<4096xf32, #tpu.memory_space<hbm>>
    tpu.enqueue_dma source(%arg16 : memref<4096xf32, #tpu.memory_space<vmem>>) target(%dma_start3A_222 : memref<4096xf32, #tpu.memory_space<hbm>>) target_semaphore(%dma_start3A_221 : memref<!tpu.dma_semaphore, #tpu.memory_space<semaphore_mem>>)
    %dma_wait3A_223 = arith.constant 0 : i32
    %dma_wait3A_224 = tpu.memref_slice %arg4[%add3A_195] : memref<1048576xf32, #tpu.memory_space<hbm>> -> memref<4096xf32, #tpu.memory_space<hbm>>
    %dma_wait3A_225 = tpu.memref_slice %arg20[%dma_wait3A_223] : memref<3x!tpu.dma_semaphore, #tpu.memory_space<semaphore_mem>> -> memref<1x!tpu.dma_semaphore, #tpu.memory_space<semaphore_mem>>
    %dma_wait3A_226 = tpu.memref_squeeze %dma_wait3A_225 : memref<1x!tpu.dma_semaphore, #tpu.memory_space<semaphore_mem>> -> memref<!tpu.dma_semaphore, #tpu.memory_space<semaphore_mem>>
    %dma_wait3A_227 = tpu.memref_slice %arg4[%add3A_195] : memref<1048576xf32, #tpu.memory_space<hbm>> -> memref<4096xf32, #tpu.memory_space<hbm>>
    tpu.wait_dma2 semaphore(%dma_wait3A_226 : memref<!tpu.dma_semaphore, #tpu.memory_space<semaphore_mem>>) src(%arg15 : memref<4096xf32, #tpu.memory_space<vmem>>) dst(%dma_wait3A_227 : memref<4096xf32, #tpu.memory_space<hbm>>)
    %dma_start3A_228 = arith.constant 0 : i32
    %dma_start3A_229 = arith.constant 0 : i32
    %dma_start3A_230 = tpu.memref_slice %arg2[%dma_start3A_229] : memref<1048576xf32, #tpu.memory_space<hbm>> -> memref<1048576xf32, #tpu.memory_space<hbm>>
    %dma_start3A_231 = tpu.memref_slice %arg19[%dma_start3A_228] : memref<3x!tpu.dma_semaphore, #tpu.memory_space<semaphore_mem>> -> memref<1x!tpu.dma_semaphore, #tpu.memory_space<semaphore_mem>>
    %dma_start3A_232 = tpu.memref_squeeze %dma_start3A_231 : memref<1x!tpu.dma_semaphore, #tpu.memory_space<semaphore_mem>> -> memref<!tpu.dma_semaphore, #tpu.memory_space<semaphore_mem>>
    tpu.enqueue_indirect_dma source(%dma_start3A_230 : memref<1048576xf32, #tpu.memory_space<hbm>>) target(%arg15 : memref<4096xf32, #tpu.memory_space<vmem>>) offsets(%arg13 : memref<4096xi32, #tpu.memory_space<vmem>>) semaphore(%dma_start3A_232 : memref<!tpu.dma_semaphore, #tpu.memory_space<semaphore_mem>>)
    %dma_wait3A_233 = arith.constant 2 : i32
    %dma_wait3A_234 = arith.constant 0 : i32
    %dma_wait3A_235 = tpu.memref_slice %arg2[%dma_wait3A_234] : memref<1048576xf32, #tpu.memory_space<hbm>> -> memref<1048576xf32, #tpu.memory_space<hbm>>
    %dma_wait3A_236 = tpu.memref_slice %arg19[%dma_wait3A_233] : memref<3x!tpu.dma_semaphore, #tpu.memory_space<semaphore_mem>> -> memref<1x!tpu.dma_semaphore, #tpu.memory_space<semaphore_mem>>
    %dma_wait3A_237 = tpu.memref_squeeze %dma_wait3A_236 : memref<1x!tpu.dma_semaphore, #tpu.memory_space<semaphore_mem>> -> memref<!tpu.dma_semaphore, #tpu.memory_space<semaphore_mem>>
    tpu.wait_indirect_dma semaphore(%dma_wait3A_237 : memref<!tpu.dma_semaphore, #tpu.memory_space<semaphore_mem>>) src(%dma_wait3A_235 : memref<1048576xf32, #tpu.memory_space<hbm>>) dst(%arg17 : memref<4096xf32, #tpu.memory_space<vmem>>)
    %add3A_238 = arith.constant 20480 : i32
    %add3A_239 = arith.addi %mul3A_2, %add3A_238 : i32
    %dma_start3A_240 = arith.constant 2 : i32
    %dma_start3A_241 = tpu.memref_slice %arg4[%add3A_239] : memref<1048576xf32, #tpu.memory_space<hbm>> -> memref<4096xf32, #tpu.memory_space<hbm>>
    %dma_start3A_242 = tpu.memref_slice %arg20[%dma_start3A_240] : memref<3x!tpu.dma_semaphore, #tpu.memory_space<semaphore_mem>> -> memref<1x!tpu.dma_semaphore, #tpu.memory_space<semaphore_mem>>
    %dma_start3A_243 = tpu.memref_squeeze %dma_start3A_242 : memref<1x!tpu.dma_semaphore, #tpu.memory_space<semaphore_mem>> -> memref<!tpu.dma_semaphore, #tpu.memory_space<semaphore_mem>>
    %dma_start3A_244 = tpu.memref_slice %arg4[%add3A_239] : memref<1048576xf32, #tpu.memory_space<hbm>> -> memref<4096xf32, #tpu.memory_space<hbm>>
    tpu.enqueue_dma source(%arg17 : memref<4096xf32, #tpu.memory_space<vmem>>) target(%dma_start3A_244 : memref<4096xf32, #tpu.memory_space<hbm>>) target_semaphore(%dma_start3A_243 : memref<!tpu.dma_semaphore, #tpu.memory_space<semaphore_mem>>)
    %dma_wait3A_245 = arith.constant 1 : i32
    %dma_wait3A_246 = tpu.memref_slice %arg4[%add3A_217] : memref<1048576xf32, #tpu.memory_space<hbm>> -> memref<4096xf32, #tpu.memory_space<hbm>>
    %dma_wait3A_247 = tpu.memref_slice %arg20[%dma_wait3A_245] : memref<3x!tpu.dma_semaphore, #tpu.memory_space<semaphore_mem>> -> memref<1x!tpu.dma_semaphore, #tpu.memory_space<semaphore_mem>>
    %dma_wait3A_248 = tpu.memref_squeeze %dma_wait3A_247 : memref<1x!tpu.dma_semaphore, #tpu.memory_space<semaphore_mem>> -> memref<!tpu.dma_semaphore, #tpu.memory_space<semaphore_mem>>
    %dma_wait3A_249 = tpu.memref_slice %arg4[%add3A_217] : memref<1048576xf32, #tpu.memory_space<hbm>> -> memref<4096xf32, #tpu.memory_space<hbm>>
    tpu.wait_dma2 semaphore(%dma_wait3A_248 : memref<!tpu.dma_semaphore, #tpu.memory_space<semaphore_mem>>) src(%arg16 : memref<4096xf32, #tpu.memory_space<vmem>>) dst(%dma_wait3A_249 : memref<4096xf32, #tpu.memory_space<hbm>>)
    %dma_start3A_250 = arith.constant 1 : i32
    %dma_start3A_251 = arith.constant 0 : i32
    %dma_start3A_252 = tpu.memref_slice %arg2[%dma_start3A_251] : memref<1048576xf32, #tpu.memory_space<hbm>> -> memref<1048576xf32, #tpu.memory_space<hbm>>
    %dma_start3A_253 = tpu.memref_slice %arg19[%dma_start3A_250] : memref<3x!tpu.dma_semaphore, #tpu.memory_space<semaphore_mem>> -> memref<1x!tpu.dma_semaphore, #tpu.memory_space<semaphore_mem>>
    %dma_start3A_254 = tpu.memref_squeeze %dma_start3A_253 : memref<1x!tpu.dma_semaphore, #tpu.memory_space<semaphore_mem>> -> memref<!tpu.dma_semaphore, #tpu.memory_space<semaphore_mem>>
    tpu.enqueue_indirect_dma source(%dma_start3A_252 : memref<1048576xf32, #tpu.memory_space<hbm>>) target(%arg16 : memref<4096xf32, #tpu.memory_space<vmem>>) offsets(%arg14 : memref<4096xi32, #tpu.memory_space<vmem>>) semaphore(%dma_start3A_254 : memref<!tpu.dma_semaphore, #tpu.memory_space<semaphore_mem>>)
    %dma_wait3A_255 = arith.constant 0 : i32
    %dma_wait3A_256 = arith.constant 0 : i32
    %dma_wait3A_257 = tpu.memref_slice %arg2[%dma_wait3A_256] : memref<1048576xf32, #tpu.memory_space<hbm>> -> memref<1048576xf32, #tpu.memory_space<hbm>>
    %dma_wait3A_258 = tpu.memref_slice %arg19[%dma_wait3A_255] : memref<3x!tpu.dma_semaphore, #tpu.memory_space<semaphore_mem>> -> memref<1x!tpu.dma_semaphore, #tpu.memory_space<semaphore_mem>>
    %dma_wait3A_259 = tpu.memref_squeeze %dma_wait3A_258 : memref<1x!tpu.dma_semaphore, #tpu.memory_space<semaphore_mem>> -> memref<!tpu.dma_semaphore, #tpu.memory_space<semaphore_mem>>
    tpu.wait_indirect_dma semaphore(%dma_wait3A_259 : memref<!tpu.dma_semaphore, #tpu.memory_space<semaphore_mem>>) src(%dma_wait3A_257 : memref<1048576xf32, #tpu.memory_space<hbm>>) dst(%arg15 : memref<4096xf32, #tpu.memory_space<vmem>>)
    %add3A_260 = arith.constant 24576 : i32
    %add3A_261 = arith.addi %mul3A_2, %add3A_260 : i32
    %dma_start3A_262 = arith.constant 0 : i32
    %dma_start3A_263 = tpu.memref_slice %arg4[%add3A_261] : memref<1048576xf32, #tpu.memory_space<hbm>> -> memref<4096xf32, #tpu.memory_space<hbm>>
    %dma_start3A_264 = tpu.memref_slice %arg20[%dma_start3A_262] : memref<3x!tpu.dma_semaphore, #tpu.memory_space<semaphore_mem>> -> memref<1x!tpu.dma_semaphore, #tpu.memory_space<semaphore_mem>>
    %dma_start3A_265 = tpu.memref_squeeze %dma_start3A_264 : memref<1x!tpu.dma_semaphore, #tpu.memory_space<semaphore_mem>> -> memref<!tpu.dma_semaphore, #tpu.memory_space<semaphore_mem>>
    %dma_start3A_266 = tpu.memref_slice %arg4[%add3A_261] : memref<1048576xf32, #tpu.memory_space<hbm>> -> memref<4096xf32, #tpu.memory_space<hbm>>
    tpu.enqueue_dma source(%arg15 : memref<4096xf32, #tpu.memory_space<vmem>>) target(%dma_start3A_266 : memref<4096xf32, #tpu.memory_space<hbm>>) target_semaphore(%dma_start3A_265 : memref<!tpu.dma_semaphore, #tpu.memory_space<semaphore_mem>>)
    %dma_wait3A_267 = arith.constant 1 : i32
    %dma_wait3A_268 = arith.constant 0 : i32
    %dma_wait3A_269 = tpu.memref_slice %arg2[%dma_wait3A_268] : memref<1048576xf32, #tpu.memory_space<hbm>> -> memref<1048576xf32, #tpu.memory_space<hbm>>
    %dma_wait3A_270 = tpu.memref_slice %arg19[%dma_wait3A_267] : memref<3x!tpu.dma_semaphore, #tpu.memory_space<semaphore_mem>> -> memref<1x!tpu.dma_semaphore, #tpu.memory_space<semaphore_mem>>
    %dma_wait3A_271 = tpu.memref_squeeze %dma_wait3A_270 : memref<1x!tpu.dma_semaphore, #tpu.memory_space<semaphore_mem>> -> memref<!tpu.dma_semaphore, #tpu.memory_space<semaphore_mem>>
    tpu.wait_indirect_dma semaphore(%dma_wait3A_271 : memref<!tpu.dma_semaphore, #tpu.memory_space<semaphore_mem>>) src(%dma_wait3A_269 : memref<1048576xf32, #tpu.memory_space<hbm>>) dst(%arg16 : memref<4096xf32, #tpu.memory_space<vmem>>)
    %add3A_272 = arith.constant 28672 : i32
    %add3A_273 = arith.addi %mul3A_2, %add3A_272 : i32
    %dma_start3A_274 = arith.constant 1 : i32
    %dma_start3A_275 = tpu.memref_slice %arg4[%add3A_273] : memref<1048576xf32, #tpu.memory_space<hbm>> -> memref<4096xf32, #tpu.memory_space<hbm>>
    %dma_start3A_276 = tpu.memref_slice %arg20[%dma_start3A_274] : memref<3x!tpu.dma_semaphore, #tpu.memory_space<semaphore_mem>> -> memref<1x!tpu.dma_semaphore, #tpu.memory_space<semaphore_mem>>
    %dma_start3A_277 = tpu.memref_squeeze %dma_start3A_276 : memref<1x!tpu.dma_semaphore, #tpu.memory_space<semaphore_mem>> -> memref<!tpu.dma_semaphore, #tpu.memory_space<semaphore_mem>>
    %dma_start3A_278 = tpu.memref_slice %arg4[%add3A_273] : memref<1048576xf32, #tpu.memory_space<hbm>> -> memref<4096xf32, #tpu.memory_space<hbm>>
    tpu.enqueue_dma source(%arg16 : memref<4096xf32, #tpu.memory_space<vmem>>) target(%dma_start3A_278 : memref<4096xf32, #tpu.memory_space<hbm>>) target_semaphore(%dma_start3A_277 : memref<!tpu.dma_semaphore, #tpu.memory_space<semaphore_mem>>)
    %dma_wait3A_279 = arith.constant 2 : i32
    %dma_wait3A_280 = tpu.memref_slice %arg4[%add3A_239] : memref<1048576xf32, #tpu.memory_space<hbm>> -> memref<4096xf32, #tpu.memory_space<hbm>>
    %dma_wait3A_281 = tpu.memref_slice %arg20[%dma_wait3A_279] : memref<3x!tpu.dma_semaphore, #tpu.memory_space<semaphore_mem>> -> memref<1x!tpu.dma_semaphore, #tpu.memory_space<semaphore_mem>>
    %dma_wait3A_282 = tpu.memref_squeeze %dma_wait3A_281 : memref<1x!tpu.dma_semaphore, #tpu.memory_space<semaphore_mem>> -> memref<!tpu.dma_semaphore, #tpu.memory_space<semaphore_mem>>
    %dma_wait3A_283 = tpu.memref_slice %arg4[%add3A_239] : memref<1048576xf32, #tpu.memory_space<hbm>> -> memref<4096xf32, #tpu.memory_space<hbm>>
    tpu.wait_dma2 semaphore(%dma_wait3A_282 : memref<!tpu.dma_semaphore, #tpu.memory_space<semaphore_mem>>) src(%arg17 : memref<4096xf32, #tpu.memory_space<vmem>>) dst(%dma_wait3A_283 : memref<4096xf32, #tpu.memory_space<hbm>>)
    %dma_wait3A_284 = arith.constant 0 : i32
    %dma_wait3A_285 = tpu.memref_slice %arg4[%add3A_261] : memref<1048576xf32, #tpu.memory_space<hbm>> -> memref<4096xf32, #tpu.memory_space<hbm>>
    %dma_wait3A_286 = tpu.memref_slice %arg20[%dma_wait3A_284] : memref<3x!tpu.dma_semaphore, #tpu.memory_space<semaphore_mem>> -> memref<1x!tpu.dma_semaphore, #tpu.memory_space<semaphore_mem>>
    %dma_wait3A_287 = tpu.memref_squeeze %dma_wait3A_286 : memref<1x!tpu.dma_semaphore, #tpu.memory_space<semaphore_mem>> -> memref<!tpu.dma_semaphore, #tpu.memory_space<semaphore_mem>>
    %dma_wait3A_288 = tpu.memref_slice %arg4[%add3A_261] : memref<1048576xf32, #tpu.memory_space<hbm>> -> memref<4096xf32, #tpu.memory_space<hbm>>
    tpu.wait_dma2 semaphore(%dma_wait3A_287 : memref<!tpu.dma_semaphore, #tpu.memory_space<semaphore_mem>>) src(%arg15 : memref<4096xf32, #tpu.memory_space<vmem>>) dst(%dma_wait3A_288 : memref<4096xf32, #tpu.memory_space<hbm>>)
    %dma_wait3A_289 = arith.constant 1 : i32
    %dma_wait3A_290 = tpu.memref_slice %arg4[%add3A_273] : memref<1048576xf32, #tpu.memory_space<hbm>> -> memref<4096xf32, #tpu.memory_space<hbm>>
    %dma_wait3A_291 = tpu.memref_slice %arg20[%dma_wait3A_289] : memref<3x!tpu.dma_semaphore, #tpu.memory_space<semaphore_mem>> -> memref<1x!tpu.dma_semaphore, #tpu.memory_space<semaphore_mem>>
    %dma_wait3A_292 = tpu.memref_squeeze %dma_wait3A_291 : memref<1x!tpu.dma_semaphore, #tpu.memory_space<semaphore_mem>> -> memref<!tpu.dma_semaphore, #tpu.memory_space<semaphore_mem>>
    %dma_wait3A_293 = tpu.memref_slice %arg4[%add3A_273] : memref<1048576xf32, #tpu.memory_space<hbm>> -> memref<4096xf32, #tpu.memory_space<hbm>>
    tpu.wait_dma2 semaphore(%dma_wait3A_292 : memref<!tpu.dma_semaphore, #tpu.memory_space<semaphore_mem>>) src(%arg16 : memref<4096xf32, #tpu.memory_space<vmem>>) dst(%dma_wait3A_293 : memref<4096xf32, #tpu.memory_space<hbm>>)
    return
  }
}

module attributes {stable_mosaic.version = 14 : i64} {
  func.func @_tc_precompute(%arg0: i32, %arg1: memref<2048x128xf32, #tpu.memory_space<vmem>>, %arg2: memref<8x128xf32, #tpu.memory_space<vmem>>, %arg3: memref<2048x128xf32, #tpu.memory_space<vmem>>) attributes {dimension_semantics = [#tpu.dimension_semantics<arbitrary>], iteration_bounds = array<i64: 4>, scalar_prefetch = 0 : i64, scratch_operands = 0 : i64, tpu.core_type = #tpu.core_type<tc>, window_params = [{transform_indices = @transform_0, window_bounds = array<i64: 2048, 128>}, {transform_indices = @transform_1, window_bounds = array<i64: 8, 128>}, {transform_indices = @transform_2, window_bounds = array<i64: 2048, 128>}]} {
    %get3A = arith.constant 0 : index
    %get3A_0 = arith.constant 0 : index
    %get3A_1 = vector.load %arg1[%get3A, %get3A_0] : memref<2048x128xf32, #tpu.memory_space<vmem>>, vector<2048x128xf32>
    %slice3A = vector.extract_strided_slice %get3A_1 {offsets = [1, 0], sizes = [2047, 128], strides = [1, 1]} : vector<2048x128xf32> to vector<2047x128xf32>
    %get3A_2 = arith.constant 0 : index
    %get3A_3 = arith.constant 0 : index
    %get3A_4 = vector.load %arg2[%get3A_2, %get3A_3] : memref<8x128xf32, #tpu.memory_space<vmem>>, vector<1x128xf32>
    %concatenate3A = tpu.concatenate %slice3A, %get3A_4 in 0 : vector<2047x128xf32>, vector<1x128xf32> -> vector<2048x128xf32>
    %iota3A = tpu.iota {dimensions = array<i32: 0>} : vector<128x128xi32>
    %iota3A_5 = tpu.iota {dimensions = array<i32: 1>} : vector<128x128xi32>
    %ge3A = arith.cmpi sge, %iota3A, %iota3A_5 : vector<128x128xi32>
    %add3A = arith.constant 63 : i32
    %add3A_6 = vector.broadcast %add3A : i32 to vector<128x128xi32>
    %add3A_7 = arith.addi %iota3A_5, %add3A_6 : vector<128x128xi32>
    %le3A = arith.cmpi sle, %iota3A, %add3A_7 : vector<128x128xi32>
    %and3A = arith.andi %ge3A, %le3A : vector<128x128xi1>
    %convert_element_type3A = arith.extui %and3A : vector<128x128xi1> to vector<128x128xi32>
    %convert_element_type3A_8 = arith.sitofp %convert_element_type3A : vector<128x128xi32> to vector<128x128xf32>
    %sub3A = arith.constant 65 : i32
    %sub3A_9 = vector.broadcast %sub3A : i32 to vector<128x128xi32>
    %sub3A_10 = arith.subi %iota3A_5, %sub3A_9 : vector<128x128xi32>
    %le3A_11 = arith.cmpi sle, %iota3A, %sub3A_10 : vector<128x128xi32>
    %convert_element_type3A_12 = arith.extui %le3A_11 : vector<128x128xi1> to vector<128x128xi32>
    %convert_element_type3A_13 = arith.sitofp %convert_element_type3A_12 : vector<128x128xi32> to vector<128x128xf32>
    %dot_general3A = arith.constant dense<0.000000e+00> : vector<2048x128xf32>
    %dot_general3A_14 = tpu.matmul %get3A_1, %convert_element_type3A_8, %dot_general3A {dimension_numbers = #tpu.dot_dimension_numbers<[1], [0], [0], [1], [0, 0, 1, 1], [], []>, transpose_lhs_hint = false} : vector<2048x128xf32>, vector<128x128xf32>, vector<2048x128xf32> -> vector<2048x128xf32>
    %dot_general3A_15 = arith.constant dense<0.000000e+00> : vector<2048x128xf32>
    %dot_general3A_16 = tpu.matmul %concatenate3A, %convert_element_type3A_13, %dot_general3A_15 {dimension_numbers = #tpu.dot_dimension_numbers<[1], [0], [0], [1], [0, 0, 1, 1], [], []>, transpose_lhs_hint = false} : vector<2048x128xf32>, vector<128x128xf32>, vector<2048x128xf32> -> vector<2048x128xf32>
    %add3A_17 = arith.addf %dot_general3A_14, %dot_general3A_16 : vector<2048x128xf32>
    %swap3A = arith.constant 0 : index
    %swap3A_18 = arith.constant 0 : index
    %swap3A_19 = vector.load %arg3[%swap3A, %swap3A_18] : memref<2048x128xf32, #tpu.memory_space<vmem>>, vector<2048x128xf32>
    tpu.vector_store %arg3[%swap3A, %swap3A_18], %add3A_17 {strides = array<i32>} : memref<2048x128xf32, #tpu.memory_space<vmem>>, vector<2048x128xf32>,
    return
  }
  func.func @transform_0(%arg0: i32) -> (i32, i32) {
    %c0_i32 = arith.constant 0 : i32
    %c0_i32_0 = arith.constant 0 : i32
    return %arg0, %c0_i32 : i32, i32
  }
  func.func @transform_1(%arg0: i32) -> (i32, i32) {
    %add3A = arith.constant 1 : i32
    %add3A_0 = arith.addi %arg0, %add3A : i32
    %mul3A = arith.constant 256 : i32
    %mul3A_1 = arith.muli %add3A_0, %mul3A : i32
    %min3A = arith.constant 1023 : i32
    %min3A_2 = arith.minsi %mul3A_1, %min3A : i32
    %c0_i32 = arith.constant 0 : i32
    %c0_i32_3 = arith.constant 0 : i32
    return %min3A_2, %c0_i32 : i32, i32
  }
  func.func @transform_2(%arg0: i32) -> (i32, i32) {
    %c0_i32 = arith.constant 0 : i32
    %c0_i32_0 = arith.constant 0 : i32
    return %arg0, %c0_i32 : i32, i32
  }
}

</mosaic_0001>

<sc_bundles>
// kernel: kernel.4.cloned.1.call-start
scs
__scs_entry_jumppad:
0x0: {  	(pc) =	sbr.rel $0x88, $3  }
0x1: {  	(tag) =	ssettag $0x0;
	lr =	simm.s32 $0x1  }
0x2: {  	[smem:$0x3F9F] =	sst lr;
	_ =	strace $0xD0000000  }
0x3: {  	_ = 	snop  }
0x4: {  	_ = 	snop  }
0x5: {  	_ = 	snop  }
0x6: {  	_ = 	snop  }
0x7: {  	_ = 	snop  }
__scs_overlays_trampoline_lowered:
0x8: {  	[smem:$0x3FAE] =	sst s0  }
0x9: {  	[smem:$0x3FAF] =	sst s1  }
0xa: {  	[smem:$0x3FB0] =	sst s2  }
0xb: {  	[smem:$0x3FB1] =	sst s3  }
0xc: {  	[smem:$0x3FB2] =	sst s4  }
0xd: {  	[smem:$0x3FB3] =	sst s5  }
0xe: {  	[smem:$0x3FB4] =	sst s6  }
0xf: {  	[smem:$0x3FB5] =	sst s7  }
0x10: {  	[smem:$0x3FB6] =	sst s8  }
0x11: {  	[smem:$0x3FB7] =	sst s9;
	s0 =	simm.s32 @!p0 $0x0  }
0x12: {  	s1 =	sld [smem:$0x3F9D];
	s0 =	simm.s32 @p0 $0x1  }
0x13: {  	[smem:$0x3FB8] =	sst s0;
	s0 =	simm.s32 @!p1 $0x0  }
0x14: {  	s2 =	sld [smem:$0x3F9C];
	s0 =	simm.s32 @p1 $0x1  }
0x15: {  	[smem:$0x3FB9] =	sst s0;
	s0 =	simm.s32 @!p2 $0x0  }
0x16: {  	s3 =	sld [smem:$0x3FDB];
	s0 =	simm.s32 @p2 $0x1  }
0x17: {  	s4 =	simm.s32 $0x1BF5;
	[smem:$0x3FBB] =	sst s0  }
0x18: {  	s0 =	sld [smem:$0x3F9E];
	_ =	swait.ge [sflag:s4], $0x0  }
0x19: {  	s7 =	sld [smem:$0x3F9F]  }
0x1a: {  	s8 =	sadd.s32 $0xFFFFE003, lr  }
0x1b: {  	s9 =	sadd.s32 $0xFFFFFEF7, lr;
	s5 =	simm.s32 $0xFFFFFFFF;
	p2 =	slt.u32 s8, $0xFFFFF086  }
0x1c: {  	p1 =	slt.u32 s9, $0xF7A;
	s5 =	simm.s32 @!p2 $0x0  }
0x1d: {  	s5 =	simm.s32 @p1 $0x1;
	p0 =	seq.s32 s7, s2  }
0x1e: {  	s7 =	smul.u32 @!p0 $0xF7A, s2;
	p2 =	seq.s32 @!p0 s5, $0x0  }
0x1f: {  	s9 =	smul.u32 $0xF7A, s1;
	s8 =	simm.s32 @!p0 $0x1BF5;
	p2 =	por !p2, p0  }
0x20: {  	[sflag:s8] =	ssyncset.s32 @!p0 $0xFFFFF086;
	s6 =	sadd.s32 @!p0 s3, s7;
	s7 =	simm.s32 @!p0 $0x108  }
0x21: {  	s3 =	sadd.s32 s3, s9;
	s6 =	sadd.s32 @!p0 $0x88, s6;
	s7 =	simm.s32 @p2 $0x1082  }
0x22: {  	[simem:s7], [sflag:s8] =	dma.local @!p0 [hbm:s6], $0xF7A  }
0x23: {  	s9 =	sor.u32 $0xD0000000, s2;
	s6 =	simm.s32 $0x108;
	_ =	swait.ge @!p0 [sflag:s8], $0x0  }
0x24: {  	s3 =	sadd.s32 $0x88, s3;
	s6 =	simm.s32 @!p1 $0x1082;
	[sflag:s4] =	ssyncset.s32 $0xFFFFF086  }
0x25: {  	[simem:s6], [sflag:s4] =	dma.local [hbm:s3], $0xF7A  }
0x26: {  	[smem:$0x3F9F] =	sst s1;
	(tag) =	ssettag s2;
	_ =	strace s9  }
0x27: {  	s1 =	sld [smem:$0x3FAF]  }
0x28: {  	s2 =	sld [smem:$0x3FB0]  }
0x29: {  	s4 =	sld [smem:$0x3FB2]  }
0x2a: {  	p0 =	seq.s32 s5, $0x0;
	s5 =	sld [smem:$0x3FB3]  }
0x2b: {  	s6 =	sld [smem:$0x3FB4]  }
0x2c: {  	s7 =	sld [smem:$0x3FB5]  }
0x2d: {  	s3 =	simm.s32 $0x108;
	s8 =	sld [smem:$0x3FB6]  }
0x2e: {  	s3 =	simm.s32 @!p0 $0x1082;
	s9 =	sld [smem:$0x3FB7]  }
0x2f: {  	lr =	sadd.s32 s0, s3;
	s0 =	sld [smem:$0x3FAE]  }
0x30: {  	s3 =	sld [smem:$0x3FB1]  }
0x31: {  	[smem:$0x3FBA] =	sst s10  }
0x32: {  	s10 =	sld [smem:$0x3FB8];
	_ =	sdelay $0x3  }
0x33: {  	p0 =	seq.s32 s10, $0x1;
	s10 =	sld [smem:$0x3FBA];
	_ =	sdelay $0x3  }
0x34: {  	[smem:$0x3FBA] =	sst s10  }
0x35: {  	s10 =	sld [smem:$0x3FB9];
	_ =	sdelay $0x3  }
0x36: {  	p1 =	seq.s32 s10, $0x1;
	s10 =	sld [smem:$0x3FBA];
	_ =	sdelay $0x3  }
0x37: {  	[smem:$0x3FBA] =	sst s10  }
0x38: {  	s10 =	sld [smem:$0x3FBB]  }
0x39: {  	_ = 	snop;
	(pc) =	sbr.ind lr, $3  }
0x3a: {  	_ = 	snop  }
0x3b: {  	_ = 	snop  }
0x3c: {  	p2 =	seq.s32 s10, $0x1;
	s10 =	sld [smem:$0x3FBA]  }
0x3d: {  	_ =	shalt  }
0x3e: {  	_ =	shalt  }
0x3f: {  	_ =	shalt  }
0x40: {  	_ =	shalt  }
0x41: {  	_ =	shalt  }
0x42: {  	_ =	shalt  }
0x43: {  	_ =	shalt  }
0x44: {  	_ =	shalt  }
0x45: {  	_ =	shalt  }
0x46: {  	_ =	shalt  }
0x47: {  	_ =	shalt  }
0x48: {  	_ =	shalt  }
0x49: {  	_ =	shalt  }
0x4a: {  	_ =	shalt  }
0x4b: {  	_ =	shalt  }
0x4c: {  	_ =	shalt  }
0x4d: {  	_ =	shalt  }
0x4e: {  	_ =	shalt  }
0x4f: {  	_ =	shalt  }
0x50: {  	_ =	shalt  }
0x51: {  	_ =	shalt  }
0x52: {  	_ =	shalt  }
0x53: {  	_ =	shalt  }
0x54: {  	_ =	shalt  }
0x55: {  	_ =	shalt  }
0x56: {  	_ =	shalt  }
0x57: {  	_ =	shalt  }
0x58: {  	_ =	shalt  }
0x59: {  	_ =	shalt  }
0x5a: {  	_ =	shalt  }
0x5b: {  	_ =	shalt  }
0x5c: {  	_ =	shalt  }
0x5d: {  	_ =	shalt  }
0x5e: {  	_ =	shalt  }
0x5f: {  	_ =	shalt  }
0x60: {  	_ =	shalt  }
0x61: {  	_ =	shalt  }
0x62: {  	_ =	shalt  }
0x63: {  	_ =	shalt  }
0x64: {  	_ =	shalt  }
0x65: {  	_ =	shalt  }
0x66: {  	_ =	shalt  }
0x67: {  	_ =	shalt  }
0x68: {  	_ =	shalt  }
0x69: {  	_ =	shalt  }
0x6a: {  	_ =	shalt  }
0x6b: {  	_ =	shalt  }
0x6c: {  	_ =	shalt  }
0x6d: {  	_ =	shalt  }
0x6e: {  	_ =	shalt  }
0x6f: {  	_ =	shalt  }
0x70: {  	_ =	shalt  }
0x71: {  	_ =	shalt  }
0x72: {  	_ =	shalt  }
0x73: {  	_ =	shalt  }
0x74: {  	_ =	shalt  }
0x75: {  	_ =	shalt  }
0x76: {  	_ =	shalt  }
0x77: {  	_ =	shalt  }
0x78: {  	_ =	shalt  }
0x79: {  	_ =	shalt  }
0x7a: {  	_ =	shalt  }
0x7b: {  	_ =	shalt  }
0x7c: {  	_ =	shalt  }
0x7d: {  	_ =	shalt  }
0x7e: {  	_ =	shalt  }
0x7f: {  	_ =	shalt  }
0x80: {  	_ =	shalt  }
0x81: {  	_ =	shalt  }
0x82: {  	_ =	shalt  }
0x83: {  	_ =	shalt  }
0x84: {  	_ =	shalt  }
0x85: {  	_ =	shalt  }
0x86: {  	_ =	shalt  }
0x87: {  	_ =	shalt  }
.Lfunc_end0:
.L_simem_size_0:
called_computation_lowered:
.L_overlay_start_0:
0x88: {  	s2 =	sld [smem:$0x3FD9]  }
0x89: {  	s3 =	sld [smem:$0x3FFE];
	_ =	sdelay $0x1  }
0x8a: {  	s1 =	srdreg.scid  }
0x8b: {  	s0 =	sand.u32 $0x1, s1  }
0x8c: {  	s17 =	sshll.u32 s0, $0xA;
	s2 =	sadd.s32 s3, s2  }
0x8d: {  	s2 =	sadd.s32 s2, s17  }
0x8e: {  	[smem:$0x3FC6] =	sst s2  }
0x8f: {  	_ = 	snop  }
0x90: {  	s2 =	sld [smem:$0x3FC9]  }
0x91: {  	s18 =	sld [smem:$0x3FD0];
	(tm) =	ssettm $0x1  }
0x92: {  	s4 =	sld [smem:$0x3FFB];
	_ =	sdelay $0x3  }
0x93: {  	_ =	strace s4  }
0x94: {  	s4 =	sld [smem:$0x3FFC];
	_ =	sdelay $0x3  }
0x95: {  	_ =	strace s4  }
0x96: {  	s4 =	sld [smem:$0x3FFD];
	_ =	sdelay $0x3  }
0x97: {  	_ =	strace s4  }
0x98: {  	_ =	strace $0x8FFFFFFF  }
0x99: {  	s19 =	sld [smem:$0x3FDB];
	_ =	sdelay $0x1  }
0x9a: {  	s5 =	simm.s32 $_scs_section_size  }
0x9b: {  	s6 =	simm.s32 $_size__tile_overlayer_lowered;
	s7 =	simm.s32 $_tile_overlayer_lowered  }
0x9c: {  	s22 =	simm.s32 $0x1BFF;
	s21 =	sshll.u32 s7, $0x1;
	s4 =	sadd.s32 s5, s19  }
0x9d: {  	s8 =	simm.s32 $0x0;
	s20 =	sshll.u32 s6, $0x1;
	s6 =	sadd.s32 s21, s4  }
0x9e: {  	[timem:s8], [sflag:s22] =	dma.local [hbm:s6], s20  }
0x9f: {  	_ =	swait.ge [sflag:s22], s20  }
0xa0: {  	s5 =	ssub.s32 $0x0, s20;
	[sflag:s22] =	ssyncset.done $0x0  }
0xa1: {  	[sflag:s22] =	ssyncadd.s32 s5;
	_ =	sdelay $0x1  }
0xa2: {  	s23 =	simm.s32 $0x1B8B  }
0xa3: {  	_ =	swait.ge [sflag:s23], $0x1  }
0xa4: {  	[sflag:s23] =	ssyncset.done $0x0  }
0xa5: {  	s25 =	simm.s32 $0x1B8E;
	s24 =	sld [smem:$0x3FFE];
	[sflag:s23] =	ssyncadd.s32 $0xFFFFFFFF  }
0xa6: {  	s26 =	simm.s32 $execute0_lowered;
	[smem:$0x3FD2] =	sst s25  }
0xa7: {  	s6 =	sshll.u32 s26, $0x1;
	_ =	strace $0x80000046;
	[dreg:$0x1] =	wrdreg $0xFFFFFFFF  }
0xa8: {  	s28 =	simm.s32 $_size_execute0_lowered;
	s4 =	sadd.s32 s4, s6;
	[dreg:$0x0] =	wrdreg $0x0  }
0xa9: {  	s6 =	sshll.u32 s28, $0x1;
	[dreg:$0x2] =	wrdreg s4  }
0xaa: {  	[dreg:$0x3] =	wrdreg s6  }
0xab: {  	[dreg:$0x4] =	wrdreg $0xC0  }
0xac: {  	_ =	task [dreg:s8], $0x5FFFF  }
0xad: {  	[dreg:$0x1] =	wrdreg $0xFFFFFFFF  }
0xae: {  	[dreg:$0x0] =	wrdreg $0x60  }
0xaf: {  	[dreg:$0x2] =	wrdreg s24  }
0xb0: {  	[dreg:$0x3] =	wrdreg s2  }
0xb1: {  	[dreg:$0x4] =	wrdreg s18  }
0xb2: {  	[dreg:$0x5] =	wrdreg $0x9  }
0xb3: {  	_ =	task.clear_ibuf [dreg:s8], $0x6FFFF;
	_ =	strace $0x90000046  }
0xb4: {  	s29 =	simm.s32 $0x9;
	_ =	strace $0x80000048  }
0xb5: {  	_ =	swait.ge [sflag:s29], $0x1  }
0xb6: {  	[sflag:s29] =	ssyncadd.s32 $0xFFFFFFFF  }
0xb7: {  	_ =	strace $0x90000048  }
0xb8: {  	_ =	sfence  }
0xb9: {  	s30 =	sld [smem:$0x0];
	_ =	sdelay $0x2  }
0xba: {  	s31 =	sshll.u32 s1, $0xD;
	s1 =	sshrl.u32 s1, $0x2  }
0xbb: {  	s3 =	sand.u32 $0x4000, s31;
	s1 =	sadd.s32 s1, s30  }
0xbc: {  	s0 =	sor.u32 s3, s0;
	s1 =	sshll.u32 s1, $0x11  }
0xbd: {  	s0 =	sor.u32 s1, s0  }
0xbe: {  	s0 =	sadd.s32 $0x8F2B, s0  }
0xbf: {  	[sflag:s0] =	ssyncadd.remote.s32 $0x1  }
0xc0: {  	_ =	sfence.sel $0xFFFF  }
0xc1: {  	[dreg:$0x0] =	wrdreg $0xFFFFFFFF;
	(pc) =	sbr.abs _section_cstart, $3  }
0xc2: {  	[dreg:$0x1] =	wrdreg $0xFFFFFFFF  }
0xc3: {  	_ =	task.clear_ibuf [dreg:s8], $0x2FFFF;
	_ =	strace $0x9FFFFFFF  }
0xc4: {  	(tm) =	ssettm $0x7FFFFFFF  }
0xc5: {  	_ =	shalt  }
tec
execute0_lowered:
.L_overlay_start_1:
0x0: {  	(tag) =	ssettag $0x1  }
0x1: {  	s0 =	rddreg [dreg:$0x0]  }
0x2: {  	s1 =	rddreg [dreg:$0x1]  }
0x3: {  	s4 =	rddreg [dreg:$0x2];
	s3 =	srdreg.scid;
	s2 =	simm.s32 $0x0  }
0x4: {  	s5 =	stileid.u32;
	s28 =	simm.s32 $0xB000;
	s29 =	simm.s32 $0x3  }
0x5: {  	s31 =	simm.s32 $0xC000;
	s30 =	simm.s32 $0x7;
	s3 =	sand.u32 $0x1, s3  }
0x6: {  	[smem:$0x7FF] =	sst s2;
	s5 =	sshll.u32 s5, $0xD;
	s6 =	sshll.u32 s3, $0xC  }
0x7: {  	_ =	strace $0x80000047;
	s7 =	ssub.s32 $0x2, s3;
	s5 =	sor.u32 s6, s5  }
0x8: {  	s3 =	sadd.s32 $0x800, s0;
	s20 =	sshrl.u32 s7, $0x1;
	s6 =	sor.u32 $0x200, s5  }
0x9: {  	s0 =	ssub.s32 s7, s20;
	s21 =	sadd.s32 s1, s5;
	s23 =	sor.u32 $0x400, s5  }
0xa: {  	s8 =	sor.u32 $0x600, s5;
	s9 =	sor.u32 $0x800, s5;
	s17 =	sor.u32 $0xA00, s5  }
0xb: {  	s18 =	sor.u32 $0xC00, s5;
	s19 =	sor.u32 $0xE00, s5;
	s12 =	sadd.s32 s4, s5  }
0xc: {  	[dreg:$0x4] =	wrdreg s21;
	s22 =	sadd.s32 s1, s6;
	s10 =	sadd.s32 s1, s23  }
0xd: {  	s24 =	sadd.s32 s1, s8;
	s25 =	sadd.s32 s1, s9;
	s26 =	sadd.s32 s1, s17  }
0xe: {  	s11 =	sadd.s32 s1, s19;
	s13 =	sadd.s32 s4, s6;
	s14 =	sadd.s32 s4, s23  }
0xf: {  	s15 =	sadd.s32 s4, s8;
	s16 =	sadd.s32 s4, s9;
	[dreg:$0x5] =	wrdreg s22  }
0x10: {  	s17 =	sadd.s32 s4, s17;
	s19 =	sadd.s32 s4, s19;
	[dreg:$0x6] =	wrdreg s10  }
0x11: {  	s20 =	smax.u32 s0, $0x1;
	s21 =	simm.s32 $0x1000;
	[dreg:$0x7] =	wrdreg s24  }
0x12: {  	s23 =	simm.s32 $0x2;
	s0 =	simm.s32 $0x4;
	[dreg:$0x8] =	wrdreg s25  }
0x13: {  	[dreg:$0x9] =	wrdreg s26;
	s10 =	sadd.s32 s1, s18;
	s18 =	sadd.s32 s4, s18  }
0x14: {  	s22 =	simm.s32 $0x1;
	s25 =	simm.s32 $0xA000;
	s1 =	simm.s32 $0x6  }
0x15: {  	s26 =	simm.s32 $0x5;
	s24 =	simm.s32 $0x8;
	s4 =	simm.s32 $0x0  }
.LBB2_1:
0x16: {  	s5 =	rddreg [dreg:$0x4]  }
0x17: {  	[tilespmem:s2], [sflag:$0x1] =	stream.linear.gather [hbm4b:s5+s2], $0x1000, $0x38;
	[tilespmem:$0xD000] =	vst v63  }
0x18: {  	s8 =	rddreg [dreg:$0x5]  }
0x19: {  	[tilespmem:s21], [sflag:$0x2] =	stream.linear.gather [hbm4b:s8+s2], $0x1000, $0x38;
	[tilespmem:$0xD000] =	vst v63  }
0x1a: {  	_ =	swait.ge [sflag:s22], $0x1000  }
0x1b: {  	[sflag:s22] =	ssyncset.done $0x0  }
0x1c: {  	s9 =	simm.s32 $0x40;
	[sflag:s22] =	ssyncadd.s32 $0xFFFFF000  }
0x1d: {  	v0 =	vld [tilespmem:s9+$0xFFFFFFC0]  }
0x1e: {  	v1 =	vld [tilespmem:s9+$0x0]  }
0x1f: {  	v2 =	vld [tilespmem:s9+$0x20]  }
0x20: {  	v3 =	vld [tilespmem:s9+$0xFFFFFFF0]  }
0x21: {  	v4 =	vld [tilespmem:s9+$0x10]  }
0x22: {  	v5 =	vld [tilespmem:s9+$0x30]  }
0x23: {  	v6 =	vld [tilespmem:s9+$0xFFFFFFE0]  }
0x24: {  	s6 =	simm.s32 $0xC0;
	v7 =	vld [tilespmem:s9+$0xFFFFFFD0]  }
0x25: {  	v8 =	vld [tilespmem:s6+$0xFFFFFFC0]  }
0x26: {  	v9 =	vld [tilespmem:s6+$0x0];
	v0 =	vmul.f32 $1.048511000e+06, v0;
	v1 =	vmul.f32 $1.048511000e+06, v1  }
0x27: {  	v10 =	vld [tilespmem:s6+$0x20];
	v2 =	vmul.f32 $1.048511000e+06, v2;
	v3 =	vmul.f32 $1.048511000e+06, v3  }
0x28: {  	v4 =	vmul.f32 $1.048511000e+06, v4;
	v5 =	vmul.f32 $1.048511000e+06, v5  }
0x29: {  	v6 =	vmul.f32 $1.048511000e+06, v6;
	v7 =	vmul.f32 $1.048511000e+06, v7;
	v0 =	vadd.f32 $1.000000000e+00, v0  }
0x2a: {  	v8 =	vmul.f32 $1.048511000e+06, v8;
	v1 =	vadd.f32 $1.000000000e+00, v1;
	v2 =	vadd.f32 $1.000000000e+00, v2  }
0x2b: {  	v9 =	vmul.f32 $1.048511000e+06, v9;
	v3 =	vadd.f32 $1.000000000e+00, v3;
	v5 =	vadd.f32 $1.000000000e+00, v5  }
0x2c: {  	v10 =	vmul.f32 $1.048511000e+06, v10;
	v6 =	vadd.f32 $1.000000000e+00, v6;
	v4 =	vadd.f32 $1.000000000e+00, v4  }
0x2d: {  	v7 =	vadd.f32 $1.000000000e+00, v7;
	v0 =	vmax.f32 v0, $1.000000000e+00;
	v1 =	vmax.f32 v1, $1.000000000e+00  }
0x2e: {  	v2 =	vmax.f32 v2, $1.000000000e+00;
	v3 =	vmax.f32 v3, $1.000000000e+00;
	v5 =	vmax.f32 v5, $1.000000000e+00  }
0x2f: {  	v6 =	vmax.f32 v6, $1.000000000e+00;
	v4 =	vmax.f32 v4, $1.000000000e+00;
	v13 =	vmax.f32 v7, $1.000000000e+00  }
0x30: {  	v0 =	vmin.f32 v0, $1.048512000e+06;
	v1 =	vmin.f32 v1, $1.048512000e+06;
	v2 =	vmin.f32 v2, $1.048512000e+06  }
0x31: {  	v3 =	vmin.f32 v3, $1.048512000e+06;
	v6 =	vmin.f32 v6, $1.048512000e+06;
	v0 =	vtrunc.f32 v0  }
0x32: {  	v4 =	vmin.f32 v4, $1.048512000e+06;
	v1 =	vtrunc.f32 v1;
	v2 =	vtrunc.f32 v2  }
0x33: {  	v7 =	vld [tilespmem:s6+$0x30];
	v5 =	vmin.f32 v5, $1.048512000e+06;
	v3 =	vtrunc.f32 v3;
	v6 =	vtrunc.f32 v6  }
0x34: {  	v5 =	vtrunc.f32 v5;
	v4 =	vtrunc.f32 v4  }
0x35: {  	v11 =	vld [tilespmem:s6+$0xFFFFFFF0];
	v8 =	vadd.f32 $1.000000000e+00, v8;
	v1 =	vcvt.f32.s32 v1;
	v0 =	vcvt.f32.s32 v0  }
0x36: {  	s5 =	simm.s32 $0x2040;
	v2 =	vcvt.f32.s32 v2;
	v6 =	vcvt.f32.s32 v6  }
0x37: {  	v12 =	vld [tilespmem:s6+$0x10];
	[tilespmem:s5+$0x0] =	vst v1;
	v1 =	vmax.f32 v8, $1.000000000e+00;
	v8 =	vadd.f32 $1.000000000e+00, v9;
	v9 =	vcvt.f32.s32 v3  }
0x38: {  	v5 =	vcvt.f32.s32 v5;
	[tilespmem:s5+$0xFFFFFFC0] =	vst v0;
	v7 =	vmul.f32 $1.048511000e+06, v7  }
0x39: {  	v0 =	vmin.f32 v1, $1.048512000e+06;
	v1 =	vadd.f32 $1.000000000e+00, v10;
	[tilespmem:s5+$0xFFFFFFF0] =	vst v9;
	v9 =	vcvt.f32.s32 v4;
	v4 =	vld [tilespmem:s6+$0xFFFFFFE0]  }
0x3a: {  	[tilespmem:s5+$0x20] =	vst v2;
	v10 =	vmul.f32 $1.048511000e+06, v11;
	v11 =	vmin.f32 v13, $1.048512000e+06;
	v2 =	vmax.f32 v8, $1.000000000e+00  }
0x3b: {  	[tilespmem:s5+$0xFFFFFFE0] =	vst v6;
	v3 =	vtrunc.f32 v0;
	v0 =	vmin.f32 v2, $1.048512000e+06;
	v8 =	vmax.f32 v1, $1.000000000e+00  }
0x3c: {  	s7 =	simm.s32 $0x80;
	[tilespmem:s5+$0x30] =	vst v5;
	v2 =	vmul.f32 $1.048511000e+06, v12;
	v6 =	vtrunc.f32 v0;
	v0 =	vld [tilespmem:s6+$0xFFFFFFD0];
	v5 =	vmin.f32 v8, $1.048512000e+06  }
0x3d: {  	s8 =	simm.s32 $0x20C0;
	s9 =	simm.s32 $0x140;
	v8 =	vtrunc.f32 v11;
	[tilespmem:s5+$0x10] =	vst v9;
	s6 =	simm.s32 $0x20C0;
	v1 =	vcvt.f32.s32 v6;
	v6 =	vadd.f32 $1.000000000e+00, v10  }
.LBB2_2:
0x3e: {  	v9 =	vld [tilespmem:s9+$0xFFFFFFC0];
	s7 =	sadd.s32 $0x80, s7;
	v4 =	vmul.f32 $1.048511000e+06, v4;
	v7 =	vadd.f32 $1.000000000e+00, v7;
	s8 =	sadd.s32 $0x80, s8;
	v8 =	vcvt.f32.s32 v8  }
0x3f: {  	v3 =	vcvt.f32.s32 v3;
	v5 =	vtrunc.f32 v5;
	v10 =	vld [tilespmem:s9+$0x0];
	p0 =	slt.u32 s7, $0xF80;
	v6 =	vmax.f32 v6, $1.000000000e+00  }
0x40: {  	v2 =	vadd.f32 $1.000000000e+00, v2;
	v11 =	vld [tilespmem:s9+$0x30];
	v4 =	vadd.f32 $1.000000000e+00, v4;
	v7 =	vmax.f32 v7, $1.000000000e+00;
	[tilespmem:s5+$0xFFFFFFD0] =	vst v8;
	s5 =	smov.u32 s6;
	s6 =	smov.u32 s8  }
0x41: {  	v12 =	vmul.f32 $1.048511000e+06, v0;
	v0 =	vmin.f32 v6, $1.048512000e+06;
	v8 =	vld [tilespmem:s9+$0x20];
	[tilespmem:s5+$0x0] =	vst v1;
	v1 =	vcvt.f32.s32 v5  }
0x42: {  	v2 =	vmax.f32 v2, $1.000000000e+00;
	v5 =	vld [tilespmem:s9+$0x10];
	[tilespmem:s5+$0xFFFFFFC0] =	vst v3;
	v3 =	vmax.f32 v4, $1.000000000e+00;
	v4 =	vtrunc.f32 v0  }
0x43: {  	v6 =	vmul.f32 $1.048511000e+06, v9;
	v0 =	vld [tilespmem:s9+$0xFFFFFFD0];
	v9 =	vadd.f32 $1.000000000e+00, v12;
	v3 =	vmin.f32 v3, $1.048512000e+06;
	[tilespmem:s5+$0x20] =	vst v1  }
0x44: {  	v2 =	vmin.f32 v2, $1.048512000e+06;
	v7 =	vmin.f32 v7, $1.048512000e+06;
	v1 =	vld [tilespmem:s9+$0xFFFFFFF0];
	v3 =	vtrunc.f32 v3  }
0x45: {  	v10 =	vmul.f32 $1.048511000e+06, v10;
	v6 =	vadd.f32 $1.000000000e+00, v6;
	v3 =	vcvt.f32.s32 v3  }
0x46: {  	v7 =	vtrunc.f32 v7;
	v9 =	vmax.f32 v9, $1.000000000e+00;
	v8 =	vmul.f32 $1.048511000e+06, v8  }
0x47: {  	v10 =	vadd.f32 $1.000000000e+00, v10;
	v6 =	vmax.f32 v6, $1.000000000e+00;
	[tilespmem:s5+$0xFFFFFFE0] =	vst v3;
	v3 =	vcvt.f32.s32 v4  }
0x48: {  	v7 =	vcvt.f32.s32 v7;
	v6 =	vmin.f32 v6, $1.048512000e+06;
	v8 =	vadd.f32 $1.000000000e+00, v8  }
.Ltmp0:
0x49: {  	v4 =	vld [tilespmem:s9+$0xFFFFFFE0];
	v12 =	vmul.f32 $1.048511000e+06, v1;
	v1 =	vmax.f32 v10, $1.000000000e+00;
	[tilespmem:s5+$0xFFFFFFF0] =	vst v3;
	v10 =	vtrunc.f32 v2;
	(pc) =	sbr.rel @p0 .LBB2_2-.Ltmp0, $4  }
0x4a: {  	v3 =	vtrunc.f32 v6;
	v2 =	vmul.f32 $1.048511000e+06, v5;
	v1 =	vmin.f32 v1, $1.048512000e+06;
	[tilespmem:s5+$0x30] =	vst v7  }
0x4b: {  	v5 =	vmax.f32 v8, $1.000000000e+00;
	v10 =	vcvt.f32.s32 v10;
	v1 =	vtrunc.f32 v1  }
0x4c: {  	v7 =	vmul.f32 $1.048511000e+06, v11;
	v8 =	vmin.f32 v9, $1.048512000e+06;
	v1 =	vcvt.f32.s32 v1  }
0x4d: {  	s9 =	sadd.s32 $0x80, s9;
	v6 =	vadd.f32 $1.000000000e+00, v12;
	v5 =	vmin.f32 v5, $1.048512000e+06;
	v8 =	vtrunc.f32 v8;
	[tilespmem:s5+$0x10] =	vst v10  }
0x4e: {  	v4 =	vmul.f32 $1.048511000e+06, v4;
	v7 =	vadd.f32 $1.000000000e+00, v7;
	v8 =	vcvt.f32.s32 v8  }
0x4f: {  	v3 =	vcvt.f32.s32 v3;
	v5 =	vtrunc.f32 v5;
	v2 =	vadd.f32 $1.000000000e+00, v2  }
0x50: {  	v0 =	vmul.f32 $1.048511000e+06, v0;
	v6 =	vmax.f32 v6, $1.000000000e+00;
	v5 =	vcvt.f32.s32 v5  }
0x51: {  	[tilespmem:s6+$0x0] =	vst v1;
	v4 =	vadd.f32 $1.000000000e+00, v4;
	v7 =	vmax.f32 v7, $1.000000000e+00;
	v1 =	vmax.f32 v2, $1.000000000e+00  }
0x52: {  	v6 =	vmin.f32 v6, $1.048512000e+06;
	v0 =	vadd.f32 $1.000000000e+00, v0;
	v1 =	vmin.f32 v1, $1.048512000e+06  }
0x53: {  	[tilespmem:s5+$0xFFFFFFD0] =	vst v8;
	v6 =	vtrunc.f32 v6;
	v4 =	vmax.f32 v4, $1.000000000e+00;
	v1 =	vtrunc.f32 v1  }
0x54: {  	[tilespmem:s6+$0xFFFFFFC0] =	vst v3;
	v0 =	vmax.f32 v0, $1.000000000e+00;
	v4 =	vmin.f32 v4, $1.048512000e+06;
	v1 =	vcvt.f32.s32 v1  }
0x55: {  	[tilespmem:s6+$0x20] =	vst v5;
	v0 =	vmin.f32 v0, $1.048512000e+06;
	v2 =	vtrunc.f32 v4;
	v4 =	vcvt.f32.s32 v6  }
0x56: {  	v3 =	vmin.f32 v7, $1.048512000e+06;
	v0 =	vtrunc.f32 v0;
	v2 =	vcvt.f32.s32 v2;
	[tilespmem:s6+$0x10] =	vst v1  }
0x57: {  	v3 =	vtrunc.f32 v3;
	v0 =	vcvt.f32.s32 v0;
	[tilespmem:s6+$0xFFFFFFF0] =	vst v4  }
0x58: {  	[tilespmem:s6+$0xFFFFFFE0] =	vst v2;
	v2 =	vcvt.f32.s32 v3  }
0x59: {  	[tilespmem:s6+$0xFFFFFFD0] =	vst v0  }
0x5a: {  	[tilespmem:s6+$0x30] =	vst v2  }
0x5b: {  	s5 =	rddreg [dreg:$0x6]  }
0x5c: {  	[tilespmem:s2], [sflag:$0x1] =	stream.linear.gather [hbm4b:s5+s2], $0x1000, $0x38;
	[tilespmem:$0xD000] =	vst v63  }
0x5d: {  	_ =	swait.ge [sflag:s23], $0x1000  }
0x5e: {  	[sflag:s23] =	ssyncset.done $0x0  }
0x5f: {  	s8 =	simm.s32 $0x1040;
	[sflag:s23] =	ssyncadd.s32 $0xFFFFF000  }
0x60: {  	v0 =	vld [tilespmem:s8+$0xFFFFFFC0]  }
0x61: {  	v1 =	vld [tilespmem:s8+$0x0]  }
0x62: {  	v2 =	vld [tilespmem:s8+$0x20]  }
0x63: {  	v3 =	vld [tilespmem:s8+$0xFFFFFFF0]  }
0x64: {  	v4 =	vld [tilespmem:s8+$0x10]  }
0x65: {  	v5 =	vld [tilespmem:s8+$0x30]  }
0x66: {  	v6 =	vld [tilespmem:s8+$0xFFFFFFE0]  }
0x67: {  	s9 =	simm.s32 $0x10C0;
	v7 =	vld [tilespmem:s8+$0xFFFFFFD0]  }
0x68: {  	v8 =	vld [tilespmem:s9+$0xFFFFFFC0]  }
0x69: {  	v9 =	vld [tilespmem:s9+$0x0];
	v0 =	vmul.f32 $1.048511000e+06, v0;
	v1 =	vmul.f32 $1.048511000e+06, v1  }
0x6a: {  	v10 =	vld [tilespmem:s9+$0x20];
	v2 =	vmul.f32 $1.048511000e+06, v2;
	v3 =	vmul.f32 $1.048511000e+06, v3  }
0x6b: {  	v4 =	vmul.f32 $1.048511000e+06, v4;
	v5 =	vmul.f32 $1.048511000e+06, v5  }
0x6c: {  	v6 =	vmul.f32 $1.048511000e+06, v6;
	v7 =	vmul.f32 $1.048511000e+06, v7;
	v0 =	vadd.f32 $1.000000000e+00, v0  }
0x6d: {  	v8 =	vmul.f32 $1.048511000e+06, v8;
	v1 =	vadd.f32 $1.000000000e+00, v1;
	v2 =	vadd.f32 $1.000000000e+00, v2  }
0x6e: {  	v9 =	vmul.f32 $1.048511000e+06, v9;
	v3 =	vadd.f32 $1.000000000e+00, v3;
	v5 =	vadd.f32 $1.000000000e+00, v5  }
0x6f: {  	v10 =	vmul.f32 $1.048511000e+06, v10;
	v6 =	vadd.f32 $1.000000000e+00, v6;
	v4 =	vadd.f32 $1.000000000e+00, v4  }
0x70: {  	v7 =	vadd.f32 $1.000000000e+00, v7;
	v0 =	vmax.f32 v0, $1.000000000e+00;
	v1 =	vmax.f32 v1, $1.000000000e+00  }
0x71: {  	v2 =	vmax.f32 v2, $1.000000000e+00;
	v3 =	vmax.f32 v3, $1.000000000e+00;
	v5 =	vmax.f32 v5, $1.000000000e+00  }
0x72: {  	v6 =	vmax.f32 v6, $1.000000000e+00;
	v4 =	vmax.f32 v4, $1.000000000e+00;
	v13 =	vmax.f32 v7, $1.000000000e+00  }
0x73: {  	v0 =	vmin.f32 v0, $1.048512000e+06;
	v1 =	vmin.f32 v1, $1.048512000e+06;
	v2 =	vmin.f32 v2, $1.048512000e+06  }
0x74: {  	v3 =	vmin.f32 v3, $1.048512000e+06;
	v6 =	vmin.f32 v6, $1.048512000e+06;
	v0 =	vtrunc.f32 v0  }
0x75: {  	v4 =	vmin.f32 v4, $1.048512000e+06;
	v1 =	vtrunc.f32 v1;
	v2 =	vtrunc.f32 v2  }
0x76: {  	v7 =	vld [tilespmem:s9+$0x30];
	v5 =	vmin.f32 v5, $1.048512000e+06;
	v3 =	vtrunc.f32 v3;
	v6 =	vtrunc.f32 v6  }
0x77: {  	v5 =	vtrunc.f32 v5;
	v4 =	vtrunc.f32 v4  }
0x78: {  	v11 =	vld [tilespmem:s9+$0xFFFFFFF0];
	v8 =	vadd.f32 $1.000000000e+00, v8;
	v1 =	vcvt.f32.s32 v1;
	v0 =	vcvt.f32.s32 v0  }
0x79: {  	s5 =	simm.s32 $0x3040;
	v2 =	vcvt.f32.s32 v2;
	v6 =	vcvt.f32.s32 v6  }
0x7a: {  	v12 =	vld [tilespmem:s9+$0x10];
	[tilespmem:s5+$0x0] =	vst v1;
	v1 =	vmax.f32 v8, $1.000000000e+00;
	v8 =	vadd.f32 $1.000000000e+00, v9;
	v9 =	vcvt.f32.s32 v3  }
0x7b: {  	v5 =	vcvt.f32.s32 v5;
	[tilespmem:s5+$0xFFFFFFC0] =	vst v0;
	v7 =	vmul.f32 $1.048511000e+06, v7  }
0x7c: {  	v0 =	vmin.f32 v1, $1.048512000e+06;
	v1 =	vadd.f32 $1.000000000e+00, v10;
	[tilespmem:s5+$0xFFFFFFF0] =	vst v9;
	v9 =	vcvt.f32.s32 v4;
	v4 =	vld [tilespmem:s9+$0xFFFFFFE0]  }
0x7d: {  	[tilespmem:s5+$0x20] =	vst v2;
	v10 =	vmul.f32 $1.048511000e+06, v11;
	v11 =	vmin.f32 v13, $1.048512000e+06;
	v2 =	vmax.f32 v8, $1.000000000e+00  }
0x7e: {  	[tilespmem:s5+$0xFFFFFFE0] =	vst v6;
	v3 =	vtrunc.f32 v0;
	v0 =	vmin.f32 v2, $1.048512000e+06;
	v8 =	vmax.f32 v1, $1.000000000e+00  }
0x7f: {  	s7 =	simm.s32 $0x80;
	[tilespmem:s5+$0x30] =	vst v5;
	v2 =	vmul.f32 $1.048511000e+06, v12;
	v6 =	vtrunc.f32 v0;
	v0 =	vld [tilespmem:s9+$0xFFFFFFD0];
	v5 =	vmin.f32 v8, $1.048512000e+06  }
0x80: {  	s6 =	simm.s32 $0x30C0;
	s8 =	simm.s32 $0x30C0;
	s9 =	simm.s32 $0x1140;
	v8 =	vtrunc.f32 v11;
	[tilespmem:s5+$0x10] =	vst v9;
	v1 =	vcvt.f32.s32 v6;
	v6 =	vadd.f32 $1.000000000e+00, v10  }
.LBB2_4:
0x81: {  	v9 =	vld [tilespmem:s9+$0xFFFFFFC0];
	s7 =	sadd.s32 $0x80, s7;
	v4 =	vmul.f32 $1.048511000e+06, v4;
	v7 =	vadd.f32 $1.000000000e+00, v7;
	s8 =	sadd.s32 $0x80, s8;
	v8 =	vcvt.f32.s32 v8  }
0x82: {  	v3 =	vcvt.f32.s32 v3;
	v5 =	vtrunc.f32 v5;
	v10 =	vld [tilespmem:s9+$0x0];
	p0 =	slt.u32 s7, $0xF80;
	v6 =	vmax.f32 v6, $1.000000000e+00  }
0x83: {  	v2 =	vadd.f32 $1.000000000e+00, v2;
	v11 =	vld [tilespmem:s9+$0x30];
	v4 =	vadd.f32 $1.000000000e+00, v4;
	v7 =	vmax.f32 v7, $1.000000000e+00;
	[tilespmem:s5+$0xFFFFFFD0] =	vst v8;
	s5 =	smov.u32 s6;
	s6 =	smov.u32 s8  }
0x84: {  	v12 =	vmul.f32 $1.048511000e+06, v0;
	v0 =	vmin.f32 v6, $1.048512000e+06;
	v8 =	vld [tilespmem:s9+$0x20];
	[tilespmem:s5+$0x0] =	vst v1;
	v1 =	vcvt.f32.s32 v5  }
0x85: {  	v2 =	vmax.f32 v2, $1.000000000e+00;
	v5 =	vld [tilespmem:s9+$0x10];
	[tilespmem:s5+$0xFFFFFFC0] =	vst v3;
	v3 =	vmax.f32 v4, $1.000000000e+00;
	v4 =	vtrunc.f32 v0  }
0x86: {  	v6 =	vmul.f32 $1.048511000e+06, v9;
	v0 =	vld [tilespmem:s9+$0xFFFFFFD0];
	v9 =	vadd.f32 $1.000000000e+00, v12;
	v3 =	vmin.f32 v3, $1.048512000e+06;
	[tilespmem:s5+$0x20] =	vst v1  }
0x87: {  	v2 =	vmin.f32 v2, $1.048512000e+06;
	v7 =	vmin.f32 v7, $1.048512000e+06;
	v1 =	vld [tilespmem:s9+$0xFFFFFFF0];
	v3 =	vtrunc.f32 v3  }
0x88: {  	v10 =	vmul.f32 $1.048511000e+06, v10;
	v6 =	vadd.f32 $1.000000000e+00, v6;
	v3 =	vcvt.f32.s32 v3  }
0x89: {  	v7 =	vtrunc.f32 v7;
	v9 =	vmax.f32 v9, $1.000000000e+00;
	v8 =	vmul.f32 $1.048511000e+06, v8  }
0x8a: {  	v10 =	vadd.f32 $1.000000000e+00, v10;
	v6 =	vmax.f32 v6, $1.000000000e+00;
	[tilespmem:s5+$0xFFFFFFE0] =	vst v3;
	v3 =	vcvt.f32.s32 v4  }
0x8b: {  	v7 =	vcvt.f32.s32 v7;
	v6 =	vmin.f32 v6, $1.048512000e+06;
	v8 =	vadd.f32 $1.000000000e+00, v8  }
.Ltmp1:
0x8c: {  	v4 =	vld [tilespmem:s9+$0xFFFFFFE0];
	v12 =	vmul.f32 $1.048511000e+06, v1;
	v1 =	vmax.f32 v10, $1.000000000e+00;
	[tilespmem:s5+$0xFFFFFFF0] =	vst v3;
	v10 =	vtrunc.f32 v2;
	(pc) =	sbr.rel @p0 .LBB2_4-.Ltmp1, $4  }
0x8d: {  	v3 =	vtrunc.f32 v6;
	v2 =	vmul.f32 $1.048511000e+06, v5;
	v1 =	vmin.f32 v1, $1.048512000e+06;
	[tilespmem:s5+$0x30] =	vst v7  }
0x8e: {  	v5 =	vmax.f32 v8, $1.000000000e+00;
	v10 =	vcvt.f32.s32 v10;
	v1 =	vtrunc.f32 v1  }
0x8f: {  	v7 =	vmul.f32 $1.048511000e+06, v11;
	v8 =	vmin.f32 v9, $1.048512000e+06;
	v1 =	vcvt.f32.s32 v1  }
0x90: {  	s9 =	sadd.s32 $0x80, s9;
	v6 =	vadd.f32 $1.000000000e+00, v12;
	v5 =	vmin.f32 v5, $1.048512000e+06;
	v8 =	vtrunc.f32 v8;
	[tilespmem:s5+$0x10] =	vst v10  }
0x91: {  	v4 =	vmul.f32 $1.048511000e+06, v4;
	v7 =	vadd.f32 $1.000000000e+00, v7;
	v8 =	vcvt.f32.s32 v8  }
0x92: {  	v3 =	vcvt.f32.s32 v3;
	v5 =	vtrunc.f32 v5;
	v2 =	vadd.f32 $1.000000000e+00, v2  }
0x93: {  	v0 =	vmul.f32 $1.048511000e+06, v0;
	v6 =	vmax.f32 v6, $1.000000000e+00;
	v5 =	vcvt.f32.s32 v5  }
0x94: {  	[tilespmem:s6+$0x0] =	vst v1;
	v4 =	vadd.f32 $1.000000000e+00, v4;
	v7 =	vmax.f32 v7, $1.000000000e+00;
	v1 =	vmax.f32 v2, $1.000000000e+00  }
0x95: {  	v6 =	vmin.f32 v6, $1.048512000e+06;
	v0 =	vadd.f32 $1.000000000e+00, v0;
	v1 =	vmin.f32 v1, $1.048512000e+06  }
0x96: {  	[tilespmem:s5+$0xFFFFFFD0] =	vst v8;
	v6 =	vtrunc.f32 v6;
	v4 =	vmax.f32 v4, $1.000000000e+00;
	v1 =	vtrunc.f32 v1  }
0x97: {  	[tilespmem:s6+$0xFFFFFFC0] =	vst v3;
	v0 =	vmax.f32 v0, $1.000000000e+00;
	v4 =	vmin.f32 v4, $1.048512000e+06;
	v1 =	vcvt.f32.s32 v1  }
0x98: {  	[tilespmem:s6+$0x20] =	vst v5;
	v0 =	vmin.f32 v0, $1.048512000e+06;
	v2 =	vtrunc.f32 v4;
	v4 =	vcvt.f32.s32 v6  }
0x99: {  	v3 =	vmin.f32 v7, $1.048512000e+06;
	v0 =	vtrunc.f32 v0;
	v2 =	vcvt.f32.s32 v2;
	[tilespmem:s6+$0x10] =	vst v1  }
0x9a: {  	v3 =	vtrunc.f32 v3;
	v0 =	vcvt.f32.s32 v0;
	[tilespmem:s6+$0xFFFFFFF0] =	vst v4  }
0x9b: {  	[tilespmem:s6+$0xFFFFFFE0] =	vst v2;
	v2 =	vcvt.f32.s32 v3  }
0x9c: {  	[tilespmem:s6+$0xFFFFFFD0] =	vst v0  }
0x9d: {  	[tilespmem:s6+$0x30] =	vst v2  }
0x9e: {  	s5 =	rddreg [dreg:$0x7]  }
0x9f: {  	[tilespmem:s21], [sflag:$0x2] =	stream.linear.gather [hbm4b:s5+s2], $0x1000, $0x38;
	[tilespmem:$0xD000] =	vst v63  }
0xa0: {  	_ =	swait.ge [sflag:s22], $0x1000  }
0xa1: {  	[sflag:s22] =	ssyncset.done $0x0  }
0xa2: {  	s8 =	simm.s32 $0x40;
	[sflag:s22] =	ssyncadd.s32 $0xFFFFF000  }
0xa3: {  	v0 =	vld [tilespmem:s8+$0xFFFFFFC0]  }
0xa4: {  	v1 =	vld [tilespmem:s8+$0x0]  }
0xa5: {  	v2 =	vld [tilespmem:s8+$0x20]  }
0xa6: {  	v3 =	vld [tilespmem:s8+$0xFFFFFFF0]  }
0xa7: {  	v4 =	vld [tilespmem:s8+$0x10]  }
0xa8: {  	v5 =	vld [tilespmem:s8+$0x30]  }
0xa9: {  	v6 =	vld [tilespmem:s8+$0xFFFFFFE0]  }
0xaa: {  	s9 =	simm.s32 $0xC0;
	v7 =	vld [tilespmem:s8+$0xFFFFFFD0]  }
0xab: {  	v8 =	vld [tilespmem:s9+$0xFFFFFFC0]  }
0xac: {  	v9 =	vld [tilespmem:s9+$0x0];
	v0 =	vmul.f32 $1.048511000e+06, v0;
	v1 =	vmul.f32 $1.048511000e+06, v1  }
0xad: {  	v10 =	vld [tilespmem:s9+$0x20];
	v2 =	vmul.f32 $1.048511000e+06, v2;
	v3 =	vmul.f32 $1.048511000e+06, v3  }
0xae: {  	v4 =	vmul.f32 $1.048511000e+06, v4;
	v5 =	vmul.f32 $1.048511000e+06, v5  }
0xaf: {  	v6 =	vmul.f32 $1.048511000e+06, v6;
	v7 =	vmul.f32 $1.048511000e+06, v7;
	v0 =	vadd.f32 $1.000000000e+00, v0  }
0xb0: {  	v8 =	vmul.f32 $1.048511000e+06, v8;
	v1 =	vadd.f32 $1.000000000e+00, v1;
	v2 =	vadd.f32 $1.000000000e+00, v2  }
0xb1: {  	v9 =	vmul.f32 $1.048511000e+06, v9;
	v3 =	vadd.f32 $1.000000000e+00, v3;
	v5 =	vadd.f32 $1.000000000e+00, v5  }
0xb2: {  	v10 =	vmul.f32 $1.048511000e+06, v10;
	v6 =	vadd.f32 $1.000000000e+00, v6;
	v4 =	vadd.f32 $1.000000000e+00, v4  }
0xb3: {  	v7 =	vadd.f32 $1.000000000e+00, v7;
	v0 =	vmax.f32 v0, $1.000000000e+00;
	v1 =	vmax.f32 v1, $1.000000000e+00  }
0xb4: {  	v2 =	vmax.f32 v2, $1.000000000e+00;
	v3 =	vmax.f32 v3, $1.000000000e+00;
	v5 =	vmax.f32 v5, $1.000000000e+00  }
0xb5: {  	v6 =	vmax.f32 v6, $1.000000000e+00;
	v4 =	vmax.f32 v4, $1.000000000e+00;
	v13 =	vmax.f32 v7, $1.000000000e+00  }
0xb6: {  	v0 =	vmin.f32 v0, $1.048512000e+06;
	v1 =	vmin.f32 v1, $1.048512000e+06;
	v2 =	vmin.f32 v2, $1.048512000e+06  }
0xb7: {  	v3 =	vmin.f32 v3, $1.048512000e+06;
	v6 =	vmin.f32 v6, $1.048512000e+06;
	v0 =	vtrunc.f32 v0  }
0xb8: {  	v4 =	vmin.f32 v4, $1.048512000e+06;
	v1 =	vtrunc.f32 v1;
	v2 =	vtrunc.f32 v2  }
0xb9: {  	v7 =	vld [tilespmem:s9+$0x30];
	v5 =	vmin.f32 v5, $1.048512000e+06;
	v3 =	vtrunc.f32 v3;
	v6 =	vtrunc.f32 v6  }
0xba: {  	v5 =	vtrunc.f32 v5;
	v4 =	vtrunc.f32 v4  }
0xbb: {  	v11 =	vld [tilespmem:s9+$0xFFFFFFF0];
	v8 =	vadd.f32 $1.000000000e+00, v8;
	v1 =	vcvt.f32.s32 v1;
	v0 =	vcvt.f32.s32 v0  }
0xbc: {  	s5 =	simm.s32 $0x4040;
	v2 =	vcvt.f32.s32 v2;
	v6 =	vcvt.f32.s32 v6  }
0xbd: {  	v12 =	vld [tilespmem:s9+$0x10];
	[tilespmem:s5+$0x0] =	vst v1;
	v1 =	vmax.f32 v8, $1.000000000e+00;
	v8 =	vadd.f32 $1.000000000e+00, v9;
	v9 =	vcvt.f32.s32 v3  }
0xbe: {  	v5 =	vcvt.f32.s32 v5;
	[tilespmem:s5+$0xFFFFFFC0] =	vst v0;
	v7 =	vmul.f32 $1.048511000e+06, v7  }
0xbf: {  	v0 =	vmin.f32 v1, $1.048512000e+06;
	v1 =	vadd.f32 $1.000000000e+00, v10;
	[tilespmem:s5+$0xFFFFFFF0] =	vst v9;
	v9 =	vcvt.f32.s32 v4;
	v4 =	vld [tilespmem:s9+$0xFFFFFFE0]  }
0xc0: {  	[tilespmem:s5+$0x20] =	vst v2;
	v10 =	vmul.f32 $1.048511000e+06, v11;
	v11 =	vmin.f32 v13, $1.048512000e+06;
	v2 =	vmax.f32 v8, $1.000000000e+00  }
0xc1: {  	[tilespmem:s5+$0xFFFFFFE0] =	vst v6;
	v3 =	vtrunc.f32 v0;
	v0 =	vmin.f32 v2, $1.048512000e+06;
	v8 =	vmax.f32 v1, $1.000000000e+00  }
0xc2: {  	s7 =	simm.s32 $0x80;
	[tilespmem:s5+$0x30] =	vst v5;
	v2 =	vmul.f32 $1.048511000e+06, v12;
	v6 =	vtrunc.f32 v0;
	v0 =	vld [tilespmem:s9+$0xFFFFFFD0];
	v5 =	vmin.f32 v8, $1.048512000e+06  }
0xc3: {  	s6 =	simm.s32 $0x40C0;
	s8 =	simm.s32 $0x40C0;
	s9 =	simm.s32 $0x140;
	v8 =	vtrunc.f32 v11;
	[tilespmem:s5+$0x10] =	vst v9;
	v1 =	vcvt.f32.s32 v6;
	v6 =	vadd.f32 $1.000000000e+00, v10  }
.LBB2_6:
0xc4: {  	v9 =	vld [tilespmem:s9+$0xFFFFFFC0];
	s7 =	sadd.s32 $0x80, s7;
	v4 =	vmul.f32 $1.048511000e+06, v4;
	v7 =	vadd.f32 $1.000000000e+00, v7;
	s8 =	sadd.s32 $0x80, s8;
	v8 =	vcvt.f32.s32 v8  }
0xc5: {  	v3 =	vcvt.f32.s32 v3;
	v5 =	vtrunc.f32 v5;
	v10 =	vld [tilespmem:s9+$0x0];
	p0 =	slt.u32 s7, $0xF80;
	v6 =	vmax.f32 v6, $1.000000000e+00  }
0xc6: {  	v2 =	vadd.f32 $1.000000000e+00, v2;
	v11 =	vld [tilespmem:s9+$0x30];
	v4 =	vadd.f32 $1.000000000e+00, v4;
	v7 =	vmax.f32 v7, $1.000000000e+00;
	[tilespmem:s5+$0xFFFFFFD0] =	vst v8;
	s5 =	smov.u32 s6;
	s6 =	smov.u32 s8  }
0xc7: {  	v12 =	vmul.f32 $1.048511000e+06, v0;
	v0 =	vmin.f32 v6, $1.048512000e+06;
	v8 =	vld [tilespmem:s9+$0x20];
	[tilespmem:s5+$0x0] =	vst v1;
	v1 =	vcvt.f32.s32 v5  }
0xc8: {  	v2 =	vmax.f32 v2, $1.000000000e+00;
	v5 =	vld [tilespmem:s9+$0x10];
	[tilespmem:s5+$0xFFFFFFC0] =	vst v3;
	v3 =	vmax.f32 v4, $1.000000000e+00;
	v4 =	vtrunc.f32 v0  }
0xc9: {  	v6 =	vmul.f32 $1.048511000e+06, v9;
	v0 =	vld [tilespmem:s9+$0xFFFFFFD0];
	v9 =	vadd.f32 $1.000000000e+00, v12;
	v3 =	vmin.f32 v3, $1.048512000e+06;
	[tilespmem:s5+$0x20] =	vst v1  }
0xca: {  	v2 =	vmin.f32 v2, $1.048512000e+06;
	v7 =	vmin.f32 v7, $1.048512000e+06;
	v1 =	vld [tilespmem:s9+$0xFFFFFFF0];
	v3 =	vtrunc.f32 v3  }
0xcb: {  	v10 =	vmul.f32 $1.048511000e+06, v10;
	v6 =	vadd.f32 $1.000000000e+00, v6;
	v3 =	vcvt.f32.s32 v3  }
0xcc: {  	v7 =	vtrunc.f32 v7;
	v9 =	vmax.f32 v9, $1.000000000e+00;
	v8 =	vmul.f32 $1.048511000e+06, v8  }
0xcd: {  	v10 =	vadd.f32 $1.000000000e+00, v10;
	v6 =	vmax.f32 v6, $1.000000000e+00;
	[tilespmem:s5+$0xFFFFFFE0] =	vst v3;
	v3 =	vcvt.f32.s32 v4  }
0xce: {  	v7 =	vcvt.f32.s32 v7;
	v6 =	vmin.f32 v6, $1.048512000e+06;
	v8 =	vadd.f32 $1.000000000e+00, v8  }
.Ltmp2:
0xcf: {  	v4 =	vld [tilespmem:s9+$0xFFFFFFE0];
	v12 =	vmul.f32 $1.048511000e+06, v1;
	v1 =	vmax.f32 v10, $1.000000000e+00;
	[tilespmem:s5+$0xFFFFFFF0] =	vst v3;
	v10 =	vtrunc.f32 v2;
	(pc) =	sbr.rel @p0 .LBB2_6-.Ltmp2, $4  }
0xd0: {  	v3 =	vtrunc.f32 v6;
	v2 =	vmul.f32 $1.048511000e+06, v5;
	v1 =	vmin.f32 v1, $1.048512000e+06;
	[tilespmem:s5+$0x30] =	vst v7  }
0xd1: {  	v5 =	vmax.f32 v8, $1.000000000e+00;
	v10 =	vcvt.f32.s32 v10;
	v1 =	vtrunc.f32 v1  }
0xd2: {  	v7 =	vmul.f32 $1.048511000e+06, v11;
	v8 =	vmin.f32 v9, $1.048512000e+06;
	v1 =	vcvt.f32.s32 v1  }
0xd3: {  	s9 =	sadd.s32 $0x80, s9;
	v6 =	vadd.f32 $1.000000000e+00, v12;
	v5 =	vmin.f32 v5, $1.048512000e+06;
	v8 =	vtrunc.f32 v8;
	[tilespmem:s5+$0x10] =	vst v10  }
0xd4: {  	v4 =	vmul.f32 $1.048511000e+06, v4;
	v7 =	vadd.f32 $1.000000000e+00, v7;
	v8 =	vcvt.f32.s32 v8  }
0xd5: {  	v3 =	vcvt.f32.s32 v3;
	v5 =	vtrunc.f32 v5;
	v2 =	vadd.f32 $1.000000000e+00, v2  }
0xd6: {  	v0 =	vmul.f32 $1.048511000e+06, v0;
	v6 =	vmax.f32 v6, $1.000000000e+00;
	v5 =	vcvt.f32.s32 v5  }
0xd7: {  	[tilespmem:s6+$0x0] =	vst v1;
	v4 =	vadd.f32 $1.000000000e+00, v4;
	v7 =	vmax.f32 v7, $1.000000000e+00;
	v1 =	vmax.f32 v2, $1.000000000e+00  }
0xd8: {  	v6 =	vmin.f32 v6, $1.048512000e+06;
	v0 =	vadd.f32 $1.000000000e+00, v0;
	v1 =	vmin.f32 v1, $1.048512000e+06  }
0xd9: {  	[tilespmem:s5+$0xFFFFFFD0] =	vst v8;
	v6 =	vtrunc.f32 v6;
	v4 =	vmax.f32 v4, $1.000000000e+00;
	v1 =	vtrunc.f32 v1  }
0xda: {  	[tilespmem:s6+$0xFFFFFFC0] =	vst v3;
	v0 =	vmax.f32 v0, $1.000000000e+00;
	v4 =	vmin.f32 v4, $1.048512000e+06;
	v1 =	vcvt.f32.s32 v1  }
0xdb: {  	[tilespmem:s6+$0x20] =	vst v5;
	v0 =	vmin.f32 v0, $1.048512000e+06;
	v2 =	vtrunc.f32 v4;
	v4 =	vcvt.f32.s32 v6  }
0xdc: {  	v3 =	vmin.f32 v7, $1.048512000e+06;
	v0 =	vtrunc.f32 v0;
	v2 =	vcvt.f32.s32 v2;
	[tilespmem:s6+$0x10] =	vst v1  }
0xdd: {  	v3 =	vtrunc.f32 v3;
	v0 =	vcvt.f32.s32 v0;
	[tilespmem:s6+$0xFFFFFFF0] =	vst v4  }
0xde: {  	[tilespmem:s6+$0xFFFFFFE0] =	vst v2;
	v2 =	vcvt.f32.s32 v3  }
0xdf: {  	[tilespmem:s6+$0xFFFFFFD0] =	vst v0  }
0xe0: {  	[tilespmem:s6+$0x30] =	vst v2  }
0xe1: {  	s5 =	rddreg [dreg:$0x8]  }
0xe2: {  	[tilespmem:s2], [sflag:$0x1] =	stream.linear.gather [hbm4b:s5+s2], $0x1000, $0x38;
	[tilespmem:$0xD000] =	vst v63  }
0xe3: {  	_ =	swait.ge [sflag:s23], $0x1000  }
0xe4: {  	[sflag:s23] =	ssyncset.done $0x0  }
0xe5: {  	s8 =	simm.s32 $0x1040;
	[sflag:s23] =	ssyncadd.s32 $0xFFFFF000  }
0xe6: {  	v0 =	vld [tilespmem:s8+$0xFFFFFFC0]  }
0xe7: {  	v1 =	vld [tilespmem:s8+$0x0]  }
0xe8: {  	v2 =	vld [tilespmem:s8+$0x20]  }
0xe9: {  	v3 =	vld [tilespmem:s8+$0xFFFFFFF0]  }
0xea: {  	v4 =	vld [tilespmem:s8+$0x10]  }
0xeb: {  	v5 =	vld [tilespmem:s8+$0x30]  }
0xec: {  	v6 =	vld [tilespmem:s8+$0xFFFFFFE0]  }
0xed: {  	s9 =	simm.s32 $0x10C0;
	v7 =	vld [tilespmem:s8+$0xFFFFFFD0]  }
0xee: {  	v8 =	vld [tilespmem:s9+$0xFFFFFFC0]  }
0xef: {  	v9 =	vld [tilespmem:s9+$0x0];
	v0 =	vmul.f32 $1.048511000e+06, v0;
	v1 =	vmul.f32 $1.048511000e+06, v1  }
0xf0: {  	v10 =	vld [tilespmem:s9+$0x20];
	v2 =	vmul.f32 $1.048511000e+06, v2;
	v3 =	vmul.f32 $1.048511000e+06, v3  }
0xf1: {  	v4 =	vmul.f32 $1.048511000e+06, v4;
	v5 =	vmul.f32 $1.048511000e+06, v5  }
0xf2: {  	v6 =	vmul.f32 $1.048511000e+06, v6;
	v7 =	vmul.f32 $1.048511000e+06, v7;
	v0 =	vadd.f32 $1.000000000e+00, v0  }
0xf3: {  	v8 =	vmul.f32 $1.048511000e+06, v8;
	v1 =	vadd.f32 $1.000000000e+00, v1;
	v2 =	vadd.f32 $1.000000000e+00, v2  }
0xf4: {  	v9 =	vmul.f32 $1.048511000e+06, v9;
	v3 =	vadd.f32 $1.000000000e+00, v3;
	v5 =	vadd.f32 $1.000000000e+00, v5  }
0xf5: {  	v10 =	vmul.f32 $1.048511000e+06, v10;
	v6 =	vadd.f32 $1.000000000e+00, v6;
	v4 =	vadd.f32 $1.000000000e+00, v4  }
0xf6: {  	v7 =	vadd.f32 $1.000000000e+00, v7;
	v0 =	vmax.f32 v0, $1.000000000e+00;
	v1 =	vmax.f32 v1, $1.000000000e+00  }
0xf7: {  	v2 =	vmax.f32 v2, $1.000000000e+00;
	v3 =	vmax.f32 v3, $1.000000000e+00;
	v5 =	vmax.f32 v5, $1.000000000e+00  }
0xf8: {  	v6 =	vmax.f32 v6, $1.000000000e+00;
	v4 =	vmax.f32 v4, $1.000000000e+00;
	v13 =	vmax.f32 v7, $1.000000000e+00  }
0xf9: {  	v0 =	vmin.f32 v0, $1.048512000e+06;
	v1 =	vmin.f32 v1, $1.048512000e+06;
	v2 =	vmin.f32 v2, $1.048512000e+06  }
0xfa: {  	v3 =	vmin.f32 v3, $1.048512000e+06;
	v6 =	vmin.f32 v6, $1.048512000e+06;
	v0 =	vtrunc.f32 v0  }
0xfb: {  	v4 =	vmin.f32 v4, $1.048512000e+06;
	v1 =	vtrunc.f32 v1;
	v2 =	vtrunc.f32 v2  }
0xfc: {  	v7 =	vld [tilespmem:s9+$0x30];
	v5 =	vmin.f32 v5, $1.048512000e+06;
	v3 =	vtrunc.f32 v3;
	v6 =	vtrunc.f32 v6  }
0xfd: {  	v5 =	vtrunc.f32 v5;
	v4 =	vtrunc.f32 v4  }
0xfe: {  	v11 =	vld [tilespmem:s9+$0xFFFFFFF0];
	v8 =	vadd.f32 $1.000000000e+00, v8;
	v1 =	vcvt.f32.s32 v1;
	v0 =	vcvt.f32.s32 v0  }
0xff: {  	s5 =	simm.s32 $0x5040;
	v2 =	vcvt.f32.s32 v2;
	v6 =	vcvt.f32.s32 v6  }
0x100: {  	v12 =	vld [tilespmem:s9+$0x10];
	[tilespmem:s5+$0x0] =	vst v1;
	v1 =	vmax.f32 v8, $1.000000000e+00;
	v8 =	vadd.f32 $1.000000000e+00, v9;
	v9 =	vcvt.f32.s32 v3  }
0x101: {  	v5 =	vcvt.f32.s32 v5;
	[tilespmem:s5+$0xFFFFFFC0] =	vst v0;
	v7 =	vmul.f32 $1.048511000e+06, v7  }
0x102: {  	v0 =	vmin.f32 v1, $1.048512000e+06;
	v1 =	vadd.f32 $1.000000000e+00, v10;
	[tilespmem:s5+$0xFFFFFFF0] =	vst v9;
	v9 =	vcvt.f32.s32 v4;
	v4 =	vld [tilespmem:s9+$0xFFFFFFE0]  }
0x103: {  	[tilespmem:s5+$0x20] =	vst v2;
	v10 =	vmul.f32 $1.048511000e+06, v11;
	v11 =	vmin.f32 v13, $1.048512000e+06;
	v2 =	vmax.f32 v8, $1.000000000e+00  }
0x104: {  	[tilespmem:s5+$0xFFFFFFE0] =	vst v6;
	v3 =	vtrunc.f32 v0;
	v0 =	vmin.f32 v2, $1.048512000e+06;
	v8 =	vmax.f32 v1, $1.000000000e+00  }
0x105: {  	s7 =	simm.s32 $0x80;
	[tilespmem:s5+$0x30] =	vst v5;
	v2 =	vmul.f32 $1.048511000e+06, v12;
	v6 =	vtrunc.f32 v0;
	v0 =	vld [tilespmem:s9+$0xFFFFFFD0];
	v5 =	vmin.f32 v8, $1.048512000e+06  }
0x106: {  	s6 =	simm.s32 $0x50C0;
	s8 =	simm.s32 $0x50C0;
	s9 =	simm.s32 $0x1140;
	v8 =	vtrunc.f32 v11;
	[tilespmem:s5+$0x10] =	vst v9;
	v1 =	vcvt.f32.s32 v6;
	v6 =	vadd.f32 $1.000000000e+00, v10  }
.LBB2_8:
0x107: {  	v9 =	vld [tilespmem:s9+$0xFFFFFFC0];
	s7 =	sadd.s32 $0x80, s7;
	v4 =	vmul.f32 $1.048511000e+06, v4;
	v7 =	vadd.f32 $1.000000000e+00, v7;
	s8 =	sadd.s32 $0x80, s8;
	v8 =	vcvt.f32.s32 v8  }
0x108: {  	v3 =	vcvt.f32.s32 v3;
	v5 =	vtrunc.f32 v5;
	v10 =	vld [tilespmem:s9+$0x0];
	p0 =	slt.u32 s7, $0xF80;
	v6 =	vmax.f32 v6, $1.000000000e+00  }
0x109: {  	v2 =	vadd.f32 $1.000000000e+00, v2;
	v11 =	vld [tilespmem:s9+$0x30];
	v4 =	vadd.f32 $1.000000000e+00, v4;
	v7 =	vmax.f32 v7, $1.000000000e+00;
	[tilespmem:s5+$0xFFFFFFD0] =	vst v8;
	s5 =	smov.u32 s6;
	s6 =	smov.u32 s8  }
0x10a: {  	v12 =	vmul.f32 $1.048511000e+06, v0;
	v0 =	vmin.f32 v6, $1.048512000e+06;
	v8 =	vld [tilespmem:s9+$0x20];
	[tilespmem:s5+$0x0] =	vst v1;
	v1 =	vcvt.f32.s32 v5  }
0x10b: {  	v2 =	vmax.f32 v2, $1.000000000e+00;
	v5 =	vld [tilespmem:s9+$0x10];
	[tilespmem:s5+$0xFFFFFFC0] =	vst v3;
	v3 =	vmax.f32 v4, $1.000000000e+00;
	v4 =	vtrunc.f32 v0  }
0x10c: {  	v6 =	vmul.f32 $1.048511000e+06, v9;
	v0 =	vld [tilespmem:s9+$0xFFFFFFD0];
	v9 =	vadd.f32 $1.000000000e+00, v12;
	v3 =	vmin.f32 v3, $1.048512000e+06;
	[tilespmem:s5+$0x20] =	vst v1  }
0x10d: {  	v2 =	vmin.f32 v2, $1.048512000e+06;
	v7 =	vmin.f32 v7, $1.048512000e+06;
	v1 =	vld [tilespmem:s9+$0xFFFFFFF0];
	v3 =	vtrunc.f32 v3  }
0x10e: {  	v10 =	vmul.f32 $1.048511000e+06, v10;
	v6 =	vadd.f32 $1.000000000e+00, v6;
	v3 =	vcvt.f32.s32 v3  }
0x10f: {  	v7 =	vtrunc.f32 v7;
	v9 =	vmax.f32 v9, $1.000000000e+00;
	v8 =	vmul.f32 $1.048511000e+06, v8  }
0x110: {  	v10 =	vadd.f32 $1.000000000e+00, v10;
	v6 =	vmax.f32 v6, $1.000000000e+00;
	[tilespmem:s5+$0xFFFFFFE0] =	vst v3;
	v3 =	vcvt.f32.s32 v4  }
0x111: {  	v7 =	vcvt.f32.s32 v7;
	v6 =	vmin.f32 v6, $1.048512000e+06;
	v8 =	vadd.f32 $1.000000000e+00, v8  }
.Ltmp3:
0x112: {  	v4 =	vld [tilespmem:s9+$0xFFFFFFE0];
	v12 =	vmul.f32 $1.048511000e+06, v1;
	v1 =	vmax.f32 v10, $1.000000000e+00;
	[tilespmem:s5+$0xFFFFFFF0] =	vst v3;
	v10 =	vtrunc.f32 v2;
	(pc) =	sbr.rel @p0 .LBB2_8-.Ltmp3, $4  }
0x113: {  	v3 =	vtrunc.f32 v6;
	v2 =	vmul.f32 $1.048511000e+06, v5;
	v1 =	vmin.f32 v1, $1.048512000e+06;
	[tilespmem:s5+$0x30] =	vst v7  }
0x114: {  	v5 =	vmax.f32 v8, $1.000000000e+00;
	v10 =	vcvt.f32.s32 v10;
	v1 =	vtrunc.f32 v1  }
0x115: {  	v7 =	vmul.f32 $1.048511000e+06, v11;
	v8 =	vmin.f32 v9, $1.048512000e+06;
	v1 =	vcvt.f32.s32 v1  }
0x116: {  	s9 =	sadd.s32 $0x80, s9;
	v6 =	vadd.f32 $1.000000000e+00, v12;
	v5 =	vmin.f32 v5, $1.048512000e+06;
	v8 =	vtrunc.f32 v8;
	[tilespmem:s5+$0x10] =	vst v10  }
0x117: {  	v4 =	vmul.f32 $1.048511000e+06, v4;
	v7 =	vadd.f32 $1.000000000e+00, v7;
	v8 =	vcvt.f32.s32 v8  }
0x118: {  	v3 =	vcvt.f32.s32 v3;
	v5 =	vtrunc.f32 v5;
	v2 =	vadd.f32 $1.000000000e+00, v2  }
0x119: {  	v0 =	vmul.f32 $1.048511000e+06, v0;
	v6 =	vmax.f32 v6, $1.000000000e+00;
	v5 =	vcvt.f32.s32 v5  }
0x11a: {  	[tilespmem:s6+$0x0] =	vst v1;
	v4 =	vadd.f32 $1.000000000e+00, v4;
	v7 =	vmax.f32 v7, $1.000000000e+00;
	v1 =	vmax.f32 v2, $1.000000000e+00  }
0x11b: {  	v6 =	vmin.f32 v6, $1.048512000e+06;
	v0 =	vadd.f32 $1.000000000e+00, v0;
	v1 =	vmin.f32 v1, $1.048512000e+06  }
0x11c: {  	[tilespmem:s5+$0xFFFFFFD0] =	vst v8;
	v6 =	vtrunc.f32 v6;
	v4 =	vmax.f32 v4, $1.000000000e+00;
	v1 =	vtrunc.f32 v1  }
0x11d: {  	[tilespmem:s6+$0xFFFFFFC0] =	vst v3;
	v0 =	vmax.f32 v0, $1.000000000e+00;
	v4 =	vmin.f32 v4, $1.048512000e+06;
	v1 =	vcvt.f32.s32 v1  }
0x11e: {  	[tilespmem:s6+$0x20] =	vst v5;
	v0 =	vmin.f32 v0, $1.048512000e+06;
	v2 =	vtrunc.f32 v4;
	v4 =	vcvt.f32.s32 v6  }
0x11f: {  	v3 =	vmin.f32 v7, $1.048512000e+06;
	v0 =	vtrunc.f32 v0;
	v2 =	vcvt.f32.s32 v2;
	[tilespmem:s6+$0x10] =	vst v1  }
0x120: {  	v3 =	vtrunc.f32 v3;
	v0 =	vcvt.f32.s32 v0;
	[tilespmem:s6+$0xFFFFFFF0] =	vst v4  }
0x121: {  	[tilespmem:s6+$0xFFFFFFE0] =	vst v2;
	v2 =	vcvt.f32.s32 v3  }
0x122: {  	[tilespmem:s6+$0xFFFFFFD0] =	vst v0  }
0x123: {  	[tilespmem:s6+$0x30] =	vst v2  }
0x124: {  	s5 =	rddreg [dreg:$0x9]  }
0x125: {  	[tilespmem:s21], [sflag:$0x2] =	stream.linear.gather [hbm4b:s5+s2], $0x1000, $0x38;
	[tilespmem:$0xD000] =	vst v63  }
0x126: {  	_ =	swait.ge [sflag:s22], $0x1000  }
0x127: {  	[sflag:s22] =	ssyncset.done $0x0  }
0x128: {  	s8 =	simm.s32 $0x40;
	[sflag:s22] =	ssyncadd.s32 $0xFFFFF000  }
0x129: {  	v0 =	vld [tilespmem:s8+$0xFFFFFFC0]  }
0x12a: {  	v1 =	vld [tilespmem:s8+$0x0]  }
0x12b: {  	v2 =	vld [tilespmem:s8+$0x20]  }
0x12c: {  	v3 =	vld [tilespmem:s8+$0xFFFFFFF0]  }
0x12d: {  	v4 =	vld [tilespmem:s8+$0x10]  }
0x12e: {  	v5 =	vld [tilespmem:s8+$0x30]  }
0x12f: {  	v6 =	vld [tilespmem:s8+$0xFFFFFFE0]  }
0x130: {  	s9 =	simm.s32 $0xC0;
	v7 =	vld [tilespmem:s8+$0xFFFFFFD0]  }
0x131: {  	v8 =	vld [tilespmem:s9+$0xFFFFFFC0]  }
0x132: {  	v9 =	vld [tilespmem:s9+$0x0];
	v0 =	vmul.f32 $1.048511000e+06, v0;
	v1 =	vmul.f32 $1.048511000e+06, v1  }
0x133: {  	v10 =	vld [tilespmem:s9+$0x20];
	v2 =	vmul.f32 $1.048511000e+06, v2;
	v3 =	vmul.f32 $1.048511000e+06, v3  }
0x134: {  	v4 =	vmul.f32 $1.048511000e+06, v4;
	v5 =	vmul.f32 $1.048511000e+06, v5  }
0x135: {  	v6 =	vmul.f32 $1.048511000e+06, v6;
	v7 =	vmul.f32 $1.048511000e+06, v7;
	v0 =	vadd.f32 $1.000000000e+00, v0  }
0x136: {  	v8 =	vmul.f32 $1.048511000e+06, v8;
	v1 =	vadd.f32 $1.000000000e+00, v1;
	v2 =	vadd.f32 $1.000000000e+00, v2  }
0x137: {  	v9 =	vmul.f32 $1.048511000e+06, v9;
	v3 =	vadd.f32 $1.000000000e+00, v3;
	v5 =	vadd.f32 $1.000000000e+00, v5  }
0x138: {  	v10 =	vmul.f32 $1.048511000e+06, v10;
	v6 =	vadd.f32 $1.000000000e+00, v6;
	v4 =	vadd.f32 $1.000000000e+00, v4  }
0x139: {  	v7 =	vadd.f32 $1.000000000e+00, v7;
	v0 =	vmax.f32 v0, $1.000000000e+00;
	v1 =	vmax.f32 v1, $1.000000000e+00  }
0x13a: {  	v2 =	vmax.f32 v2, $1.000000000e+00;
	v3 =	vmax.f32 v3, $1.000000000e+00;
	v5 =	vmax.f32 v5, $1.000000000e+00  }
0x13b: {  	v6 =	vmax.f32 v6, $1.000000000e+00;
	v4 =	vmax.f32 v4, $1.000000000e+00;
	v13 =	vmax.f32 v7, $1.000000000e+00  }
0x13c: {  	v0 =	vmin.f32 v0, $1.048512000e+06;
	v1 =	vmin.f32 v1, $1.048512000e+06;
	v2 =	vmin.f32 v2, $1.048512000e+06  }
0x13d: {  	v3 =	vmin.f32 v3, $1.048512000e+06;
	v6 =	vmin.f32 v6, $1.048512000e+06;
	v0 =	vtrunc.f32 v0  }
0x13e: {  	v4 =	vmin.f32 v4, $1.048512000e+06;
	v1 =	vtrunc.f32 v1;
	v2 =	vtrunc.f32 v2  }
0x13f: {  	v7 =	vld [tilespmem:s9+$0x30];
	v5 =	vmin.f32 v5, $1.048512000e+06;
	v3 =	vtrunc.f32 v3;
	v6 =	vtrunc.f32 v6  }
0x140: {  	v5 =	vtrunc.f32 v5;
	v4 =	vtrunc.f32 v4  }
0x141: {  	v11 =	vld [tilespmem:s9+$0xFFFFFFF0];
	v8 =	vadd.f32 $1.000000000e+00, v8;
	v1 =	vcvt.f32.s32 v1;
	v0 =	vcvt.f32.s32 v0  }
0x142: {  	s5 =	simm.s32 $0x6040;
	v2 =	vcvt.f32.s32 v2;
	v6 =	vcvt.f32.s32 v6  }
0x143: {  	v12 =	vld [tilespmem:s9+$0x10];
	[tilespmem:s5+$0x0] =	vst v1;
	v1 =	vmax.f32 v8, $1.000000000e+00;
	v8 =	vadd.f32 $1.000000000e+00, v9;
	v9 =	vcvt.f32.s32 v3  }
0x144: {  	v5 =	vcvt.f32.s32 v5;
	[tilespmem:s5+$0xFFFFFFC0] =	vst v0;
	v7 =	vmul.f32 $1.048511000e+06, v7  }
0x145: {  	v0 =	vmin.f32 v1, $1.048512000e+06;
	v1 =	vadd.f32 $1.000000000e+00, v10;
	[tilespmem:s5+$0xFFFFFFF0] =	vst v9;
	v9 =	vcvt.f32.s32 v4;
	v4 =	vld [tilespmem:s9+$0xFFFFFFE0]  }
0x146: {  	[tilespmem:s5+$0x20] =	vst v2;
	v10 =	vmul.f32 $1.048511000e+06, v11;
	v11 =	vmin.f32 v13, $1.048512000e+06;
	v2 =	vmax.f32 v8, $1.000000000e+00  }
0x147: {  	[tilespmem:s5+$0xFFFFFFE0] =	vst v6;
	v3 =	vtrunc.f32 v0;
	v0 =	vmin.f32 v2, $1.048512000e+06;
	v8 =	vmax.f32 v1, $1.000000000e+00  }
0x148: {  	s7 =	simm.s32 $0x80;
	[tilespmem:s5+$0x30] =	vst v5;
	v2 =	vmul.f32 $1.048511000e+06, v12;
	v6 =	vtrunc.f32 v0;
	v0 =	vld [tilespmem:s9+$0xFFFFFFD0];
	v5 =	vmin.f32 v8, $1.048512000e+06  }
0x149: {  	s6 =	simm.s32 $0x60C0;
	s8 =	simm.s32 $0x60C0;
	s9 =	simm.s32 $0x140;
	v8 =	vtrunc.f32 v11;
	[tilespmem:s5+$0x10] =	vst v9;
	v1 =	vcvt.f32.s32 v6;
	v6 =	vadd.f32 $1.000000000e+00, v10  }
.LBB2_10:
0x14a: {  	v9 =	vld [tilespmem:s9+$0xFFFFFFC0];
	s7 =	sadd.s32 $0x80, s7;
	v4 =	vmul.f32 $1.048511000e+06, v4;
	v7 =	vadd.f32 $1.000000000e+00, v7;
	s8 =	sadd.s32 $0x80, s8;
	v8 =	vcvt.f32.s32 v8  }
0x14b: {  	v3 =	vcvt.f32.s32 v3;
	v5 =	vtrunc.f32 v5;
	v10 =	vld [tilespmem:s9+$0x0];
	p0 =	slt.u32 s7, $0xF80;
	v6 =	vmax.f32 v6, $1.000000000e+00  }
0x14c: {  	v2 =	vadd.f32 $1.000000000e+00, v2;
	v11 =	vld [tilespmem:s9+$0x30];
	v4 =	vadd.f32 $1.000000000e+00, v4;
	v7 =	vmax.f32 v7, $1.000000000e+00;
	[tilespmem:s5+$0xFFFFFFD0] =	vst v8;
	s5 =	smov.u32 s6;
	s6 =	smov.u32 s8  }
0x14d: {  	v12 =	vmul.f32 $1.048511000e+06, v0;
	v0 =	vmin.f32 v6, $1.048512000e+06;
	v8 =	vld [tilespmem:s9+$0x20];
	[tilespmem:s5+$0x0] =	vst v1;
	v1 =	vcvt.f32.s32 v5  }
0x14e: {  	v2 =	vmax.f32 v2, $1.000000000e+00;
	v5 =	vld [tilespmem:s9+$0x10];
	[tilespmem:s5+$0xFFFFFFC0] =	vst v3;
	v3 =	vmax.f32 v4, $1.000000000e+00;
	v4 =	vtrunc.f32 v0  }
0x14f: {  	v6 =	vmul.f32 $1.048511000e+06, v9;
	v0 =	vld [tilespmem:s9+$0xFFFFFFD0];
	v9 =	vadd.f32 $1.000000000e+00, v12;
	v3 =	vmin.f32 v3, $1.048512000e+06;
	[tilespmem:s5+$0x20] =	vst v1  }
0x150: {  	v2 =	vmin.f32 v2, $1.048512000e+06;
	v7 =	vmin.f32 v7, $1.048512000e+06;
	v1 =	vld [tilespmem:s9+$0xFFFFFFF0];
	v3 =	vtrunc.f32 v3  }
0x151: {  	v10 =	vmul.f32 $1.048511000e+06, v10;
	v6 =	vadd.f32 $1.000000000e+00, v6;
	v3 =	vcvt.f32.s32 v3  }
0x152: {  	v7 =	vtrunc.f32 v7;
	v9 =	vmax.f32 v9, $1.000000000e+00;
	v8 =	vmul.f32 $1.048511000e+06, v8  }
0x153: {  	v10 =	vadd.f32 $1.000000000e+00, v10;
	v6 =	vmax.f32 v6, $1.000000000e+00;
	[tilespmem:s5+$0xFFFFFFE0] =	vst v3;
	v3 =	vcvt.f32.s32 v4  }
0x154: {  	v7 =	vcvt.f32.s32 v7;
	v6 =	vmin.f32 v6, $1.048512000e+06;
	v8 =	vadd.f32 $1.000000000e+00, v8  }
.Ltmp4:
0x155: {  	v4 =	vld [tilespmem:s9+$0xFFFFFFE0];
	v12 =	vmul.f32 $1.048511000e+06, v1;
	v1 =	vmax.f32 v10, $1.000000000e+00;
	[tilespmem:s5+$0xFFFFFFF0] =	vst v3;
	v10 =	vtrunc.f32 v2;
	(pc) =	sbr.rel @p0 .LBB2_10-.Ltmp4, $4  }
0x156: {  	v3 =	vtrunc.f32 v6;
	v2 =	vmul.f32 $1.048511000e+06, v5;
	v1 =	vmin.f32 v1, $1.048512000e+06;
	[tilespmem:s5+$0x30] =	vst v7  }
0x157: {  	v5 =	vmax.f32 v8, $1.000000000e+00;
	v10 =	vcvt.f32.s32 v10;
	v1 =	vtrunc.f32 v1  }
0x158: {  	v7 =	vmul.f32 $1.048511000e+06, v11;
	v8 =	vmin.f32 v9, $1.048512000e+06;
	v1 =	vcvt.f32.s32 v1  }
0x159: {  	s9 =	sadd.s32 $0x80, s9;
	v6 =	vadd.f32 $1.000000000e+00, v12;
	v5 =	vmin.f32 v5, $1.048512000e+06;
	v8 =	vtrunc.f32 v8;
	[tilespmem:s5+$0x10] =	vst v10  }
0x15a: {  	v4 =	vmul.f32 $1.048511000e+06, v4;
	v7 =	vadd.f32 $1.000000000e+00, v7;
	v8 =	vcvt.f32.s32 v8  }
0x15b: {  	v3 =	vcvt.f32.s32 v3;
	v5 =	vtrunc.f32 v5;
	v2 =	vadd.f32 $1.000000000e+00, v2  }
0x15c: {  	v0 =	vmul.f32 $1.048511000e+06, v0;
	v6 =	vmax.f32 v6, $1.000000000e+00;
	v5 =	vcvt.f32.s32 v5  }
0x15d: {  	[tilespmem:s6+$0x0] =	vst v1;
	v4 =	vadd.f32 $1.000000000e+00, v4;
	v7 =	vmax.f32 v7, $1.000000000e+00;
	v1 =	vmax.f32 v2, $1.000000000e+00  }
0x15e: {  	v6 =	vmin.f32 v6, $1.048512000e+06;
	v0 =	vadd.f32 $1.000000000e+00, v0;
	v1 =	vmin.f32 v1, $1.048512000e+06  }
0x15f: {  	[tilespmem:s5+$0xFFFFFFD0] =	vst v8;
	v6 =	vtrunc.f32 v6;
	v4 =	vmax.f32 v4, $1.000000000e+00;
	v1 =	vtrunc.f32 v1  }
0x160: {  	[tilespmem:s6+$0xFFFFFFC0] =	vst v3;
	v0 =	vmax.f32 v0, $1.000000000e+00;
	v4 =	vmin.f32 v4, $1.048512000e+06;
	v1 =	vcvt.f32.s32 v1  }
0x161: {  	[tilespmem:s6+$0x20] =	vst v5;
	v0 =	vmin.f32 v0, $1.048512000e+06;
	v2 =	vtrunc.f32 v4;
	v4 =	vcvt.f32.s32 v6  }
0x162: {  	v3 =	vmin.f32 v7, $1.048512000e+06;
	v0 =	vtrunc.f32 v0;
	v2 =	vcvt.f32.s32 v2;
	[tilespmem:s6+$0x10] =	vst v1  }
0x163: {  	v3 =	vtrunc.f32 v3;
	v0 =	vcvt.f32.s32 v0;
	[tilespmem:s6+$0xFFFFFFF0] =	vst v4  }
0x164: {  	[tilespmem:s6+$0xFFFFFFE0] =	vst v2;
	v2 =	vcvt.f32.s32 v3  }
0x165: {  	[tilespmem:s6+$0xFFFFFFD0] =	vst v0  }
0x166: {  	[tilespmem:s6+$0x30] =	vst v2  }
0x167: {  	[tilespmem:s2], [sflag:$0x1] =	stream.linear.gather [hbm4b:s10+s2], $0x1000, $0x38;
	[tilespmem:$0xD000] =	vst v63  }
0x168: {  	_ =	swait.ge [sflag:s23], $0x1000  }
0x169: {  	[sflag:s23] =	ssyncset.done $0x0  }
0x16a: {  	s8 =	simm.s32 $0x1040;
	[sflag:s23] =	ssyncadd.s32 $0xFFFFF000  }
0x16b: {  	v0 =	vld [tilespmem:s8+$0xFFFFFFC0]  }
0x16c: {  	v1 =	vld [tilespmem:s8+$0x0]  }
0x16d: {  	v2 =	vld [tilespmem:s8+$0x20]  }
0x16e: {  	v3 =	vld [tilespmem:s8+$0xFFFFFFF0]  }
0x16f: {  	v4 =	vld [tilespmem:s8+$0x10]  }
0x170: {  	v5 =	vld [tilespmem:s8+$0x30]  }
0x171: {  	v6 =	vld [tilespmem:s8+$0xFFFFFFE0]  }
0x172: {  	s9 =	simm.s32 $0x10C0;
	v7 =	vld [tilespmem:s8+$0xFFFFFFD0]  }
0x173: {  	v8 =	vld [tilespmem:s9+$0xFFFFFFC0]  }
0x174: {  	v9 =	vld [tilespmem:s9+$0x0];
	v0 =	vmul.f32 $1.048511000e+06, v0;
	v1 =	vmul.f32 $1.048511000e+06, v1  }
0x175: {  	v10 =	vld [tilespmem:s9+$0x20];
	v2 =	vmul.f32 $1.048511000e+06, v2;
	v3 =	vmul.f32 $1.048511000e+06, v3  }
0x176: {  	v4 =	vmul.f32 $1.048511000e+06, v4;
	v5 =	vmul.f32 $1.048511000e+06, v5  }
0x177: {  	v6 =	vmul.f32 $1.048511000e+06, v6;
	v7 =	vmul.f32 $1.048511000e+06, v7;
	v0 =	vadd.f32 $1.000000000e+00, v0  }
0x178: {  	v8 =	vmul.f32 $1.048511000e+06, v8;
	v1 =	vadd.f32 $1.000000000e+00, v1;
	v2 =	vadd.f32 $1.000000000e+00, v2  }
0x179: {  	v9 =	vmul.f32 $1.048511000e+06, v9;
	v3 =	vadd.f32 $1.000000000e+00, v3;
	v5 =	vadd.f32 $1.000000000e+00, v5  }
0x17a: {  	v10 =	vmul.f32 $1.048511000e+06, v10;
	v6 =	vadd.f32 $1.000000000e+00, v6;
	v4 =	vadd.f32 $1.000000000e+00, v4  }
0x17b: {  	v7 =	vadd.f32 $1.000000000e+00, v7;
	v0 =	vmax.f32 v0, $1.000000000e+00;
	v1 =	vmax.f32 v1, $1.000000000e+00  }
0x17c: {  	v2 =	vmax.f32 v2, $1.000000000e+00;
	v3 =	vmax.f32 v3, $1.000000000e+00;
	v5 =	vmax.f32 v5, $1.000000000e+00  }
0x17d: {  	v6 =	vmax.f32 v6, $1.000000000e+00;
	v4 =	vmax.f32 v4, $1.000000000e+00;
	v13 =	vmax.f32 v7, $1.000000000e+00  }
0x17e: {  	v0 =	vmin.f32 v0, $1.048512000e+06;
	v1 =	vmin.f32 v1, $1.048512000e+06;
	v2 =	vmin.f32 v2, $1.048512000e+06  }
0x17f: {  	v3 =	vmin.f32 v3, $1.048512000e+06;
	v6 =	vmin.f32 v6, $1.048512000e+06;
	v0 =	vtrunc.f32 v0  }
0x180: {  	v4 =	vmin.f32 v4, $1.048512000e+06;
	v1 =	vtrunc.f32 v1;
	v2 =	vtrunc.f32 v2  }
0x181: {  	v7 =	vld [tilespmem:s9+$0x30];
	v5 =	vmin.f32 v5, $1.048512000e+06;
	v3 =	vtrunc.f32 v3;
	v6 =	vtrunc.f32 v6  }
0x182: {  	v5 =	vtrunc.f32 v5;
	v4 =	vtrunc.f32 v4  }
0x183: {  	v11 =	vld [tilespmem:s9+$0xFFFFFFF0];
	v8 =	vadd.f32 $1.000000000e+00, v8;
	v1 =	vcvt.f32.s32 v1;
	v0 =	vcvt.f32.s32 v0  }
0x184: {  	s5 =	simm.s32 $0x7040;
	v2 =	vcvt.f32.s32 v2;
	v6 =	vcvt.f32.s32 v6  }
0x185: {  	v12 =	vld [tilespmem:s9+$0x10];
	[tilespmem:s5+$0x0] =	vst v1;
	v1 =	vmax.f32 v8, $1.000000000e+00;
	v8 =	vadd.f32 $1.000000000e+00, v9;
	v9 =	vcvt.f32.s32 v3  }
0x186: {  	v5 =	vcvt.f32.s32 v5;
	[tilespmem:s5+$0xFFFFFFC0] =	vst v0;
	v7 =	vmul.f32 $1.048511000e+06, v7  }
0x187: {  	v0 =	vmin.f32 v1, $1.048512000e+06;
	v1 =	vadd.f32 $1.000000000e+00, v10;
	[tilespmem:s5+$0xFFFFFFF0] =	vst v9;
	v9 =	vcvt.f32.s32 v4;
	v4 =	vld [tilespmem:s9+$0xFFFFFFE0]  }
0x188: {  	[tilespmem:s5+$0x20] =	vst v2;
	v10 =	vmul.f32 $1.048511000e+06, v11;
	v11 =	vmin.f32 v13, $1.048512000e+06;
	v2 =	vmax.f32 v8, $1.000000000e+00  }
0x189: {  	[tilespmem:s5+$0xFFFFFFE0] =	vst v6;
	v3 =	vtrunc.f32 v0;
	v0 =	vmin.f32 v2, $1.048512000e+06;
	v8 =	vmax.f32 v1, $1.000000000e+00  }
0x18a: {  	s7 =	simm.s32 $0x80;
	[tilespmem:s5+$0x30] =	vst v5;
	v2 =	vmul.f32 $1.048511000e+06, v12;
	v6 =	vtrunc.f32 v0;
	v0 =	vld [tilespmem:s9+$0xFFFFFFD0];
	v5 =	vmin.f32 v8, $1.048512000e+06  }
0x18b: {  	s6 =	simm.s32 $0x70C0;
	s8 =	simm.s32 $0x70C0;
	s9 =	simm.s32 $0x1140;
	v8 =	vtrunc.f32 v11;
	[tilespmem:s5+$0x10] =	vst v9;
	v1 =	vcvt.f32.s32 v6;
	v6 =	vadd.f32 $1.000000000e+00, v10  }
.LBB2_12:
0x18c: {  	v9 =	vld [tilespmem:s9+$0xFFFFFFC0];
	s7 =	sadd.s32 $0x80, s7;
	v4 =	vmul.f32 $1.048511000e+06, v4;
	v7 =	vadd.f32 $1.000000000e+00, v7;
	s8 =	sadd.s32 $0x80, s8;
	v8 =	vcvt.f32.s32 v8  }
0x18d: {  	v3 =	vcvt.f32.s32 v3;
	v5 =	vtrunc.f32 v5;
	v10 =	vld [tilespmem:s9+$0x0];
	p0 =	slt.u32 s7, $0xF80;
	v6 =	vmax.f32 v6, $1.000000000e+00  }
0x18e: {  	v2 =	vadd.f32 $1.000000000e+00, v2;
	v11 =	vld [tilespmem:s9+$0x30];
	v4 =	vadd.f32 $1.000000000e+00, v4;
	v7 =	vmax.f32 v7, $1.000000000e+00;
	[tilespmem:s5+$0xFFFFFFD0] =	vst v8;
	s5 =	smov.u32 s6;
	s6 =	smov.u32 s8  }
0x18f: {  	v12 =	vmul.f32 $1.048511000e+06, v0;
	v0 =	vmin.f32 v6, $1.048512000e+06;
	v8 =	vld [tilespmem:s9+$0x20];
	[tilespmem:s5+$0x0] =	vst v1;
	v1 =	vcvt.f32.s32 v5  }
0x190: {  	v2 =	vmax.f32 v2, $1.000000000e+00;
	v5 =	vld [tilespmem:s9+$0x10];
	[tilespmem:s5+$0xFFFFFFC0] =	vst v3;
	v3 =	vmax.f32 v4, $1.000000000e+00;
	v4 =	vtrunc.f32 v0  }
0x191: {  	v6 =	vmul.f32 $1.048511000e+06, v9;
	v0 =	vld [tilespmem:s9+$0xFFFFFFD0];
	v9 =	vadd.f32 $1.000000000e+00, v12;
	v3 =	vmin.f32 v3, $1.048512000e+06;
	[tilespmem:s5+$0x20] =	vst v1  }
0x192: {  	v2 =	vmin.f32 v2, $1.048512000e+06;
	v7 =	vmin.f32 v7, $1.048512000e+06;
	v1 =	vld [tilespmem:s9+$0xFFFFFFF0];
	v3 =	vtrunc.f32 v3  }
0x193: {  	v10 =	vmul.f32 $1.048511000e+06, v10;
	v6 =	vadd.f32 $1.000000000e+00, v6;
	v3 =	vcvt.f32.s32 v3  }
0x194: {  	v7 =	vtrunc.f32 v7;
	v9 =	vmax.f32 v9, $1.000000000e+00;
	v8 =	vmul.f32 $1.048511000e+06, v8  }
0x195: {  	v10 =	vadd.f32 $1.000000000e+00, v10;
	v6 =	vmax.f32 v6, $1.000000000e+00;
	[tilespmem:s5+$0xFFFFFFE0] =	vst v3;
	v3 =	vcvt.f32.s32 v4  }
0x196: {  	v7 =	vcvt.f32.s32 v7;
	v6 =	vmin.f32 v6, $1.048512000e+06;
	v8 =	vadd.f32 $1.000000000e+00, v8  }
.Ltmp5:
0x197: {  	v4 =	vld [tilespmem:s9+$0xFFFFFFE0];
	v12 =	vmul.f32 $1.048511000e+06, v1;
	v1 =	vmax.f32 v10, $1.000000000e+00;
	[tilespmem:s5+$0xFFFFFFF0] =	vst v3;
	v10 =	vtrunc.f32 v2;
	(pc) =	sbr.rel @p0 .LBB2_12-.Ltmp5, $4  }
0x198: {  	v3 =	vtrunc.f32 v6;
	v2 =	vmul.f32 $1.048511000e+06, v5;
	v1 =	vmin.f32 v1, $1.048512000e+06;
	[tilespmem:s5+$0x30] =	vst v7  }
0x199: {  	v5 =	vmax.f32 v8, $1.000000000e+00;
	v10 =	vcvt.f32.s32 v10;
	v1 =	vtrunc.f32 v1  }
0x19a: {  	v7 =	vmul.f32 $1.048511000e+06, v11;
	v8 =	vmin.f32 v9, $1.048512000e+06;
	v1 =	vcvt.f32.s32 v1  }
0x19b: {  	s9 =	sadd.s32 $0x80, s9;
	v6 =	vadd.f32 $1.000000000e+00, v12;
	v5 =	vmin.f32 v5, $1.048512000e+06;
	v8 =	vtrunc.f32 v8;
	[tilespmem:s5+$0x10] =	vst v10  }
0x19c: {  	v4 =	vmul.f32 $1.048511000e+06, v4;
	v7 =	vadd.f32 $1.000000000e+00, v7;
	v8 =	vcvt.f32.s32 v8  }
0x19d: {  	v3 =	vcvt.f32.s32 v3;
	v5 =	vtrunc.f32 v5;
	v2 =	vadd.f32 $1.000000000e+00, v2  }
0x19e: {  	v0 =	vmul.f32 $1.048511000e+06, v0;
	v6 =	vmax.f32 v6, $1.000000000e+00;
	v5 =	vcvt.f32.s32 v5  }
0x19f: {  	[tilespmem:s6+$0x0] =	vst v1;
	v4 =	vadd.f32 $1.000000000e+00, v4;
	v7 =	vmax.f32 v7, $1.000000000e+00;
	v1 =	vmax.f32 v2, $1.000000000e+00  }
0x1a0: {  	v6 =	vmin.f32 v6, $1.048512000e+06;
	v0 =	vadd.f32 $1.000000000e+00, v0;
	v1 =	vmin.f32 v1, $1.048512000e+06  }
0x1a1: {  	[tilespmem:s5+$0xFFFFFFD0] =	vst v8;
	v6 =	vtrunc.f32 v6;
	v4 =	vmax.f32 v4, $1.000000000e+00;
	v1 =	vtrunc.f32 v1  }
0x1a2: {  	[tilespmem:s6+$0xFFFFFFC0] =	vst v3;
	v0 =	vmax.f32 v0, $1.000000000e+00;
	v4 =	vmin.f32 v4, $1.048512000e+06;
	v1 =	vcvt.f32.s32 v1  }
0x1a3: {  	[tilespmem:s6+$0x20] =	vst v5;
	v0 =	vmin.f32 v0, $1.048512000e+06;
	v2 =	vtrunc.f32 v4;
	v4 =	vcvt.f32.s32 v6  }
0x1a4: {  	v3 =	vmin.f32 v7, $1.048512000e+06;
	v0 =	vtrunc.f32 v0;
	v2 =	vcvt.f32.s32 v2;
	[tilespmem:s6+$0x10] =	vst v1  }
0x1a5: {  	v3 =	vtrunc.f32 v3;
	v0 =	vcvt.f32.s32 v0;
	[tilespmem:s6+$0xFFFFFFF0] =	vst v4  }
0x1a6: {  	[tilespmem:s6+$0xFFFFFFE0] =	vst v2;
	v2 =	vcvt.f32.s32 v3  }
0x1a7: {  	[tilespmem:s6+$0xFFFFFFD0] =	vst v0  }
0x1a8: {  	[tilespmem:s6+$0x30] =	vst v2  }
0x1a9: {  	[tilespmem:s21], [sflag:$0x2] =	stream.linear.gather [hbm4b:s11+s2], $0x1000, $0x38;
	[tilespmem:$0xD000] =	vst v63  }
0x1aa: {  	_ =	swait.ge [sflag:s22], $0x1000  }
0x1ab: {  	[sflag:s22] =	ssyncset.done $0x0  }
0x1ac: {  	s8 =	simm.s32 $0x40;
	[sflag:s22] =	ssyncadd.s32 $0xFFFFF000  }
0x1ad: {  	v0 =	vld [tilespmem:s8+$0xFFFFFFC0]  }
0x1ae: {  	v1 =	vld [tilespmem:s8+$0x0]  }
0x1af: {  	v2 =	vld [tilespmem:s8+$0x20]  }
0x1b0: {  	v3 =	vld [tilespmem:s8+$0xFFFFFFF0]  }
0x1b1: {  	v4 =	vld [tilespmem:s8+$0x10]  }
0x1b2: {  	v5 =	vld [tilespmem:s8+$0x30]  }
0x1b3: {  	v6 =	vld [tilespmem:s8+$0xFFFFFFE0]  }
0x1b4: {  	s9 =	simm.s32 $0xC0;
	v7 =	vld [tilespmem:s8+$0xFFFFFFD0]  }
0x1b5: {  	v8 =	vld [tilespmem:s9+$0xFFFFFFC0]  }
0x1b6: {  	v9 =	vld [tilespmem:s9+$0x0];
	v0 =	vmul.f32 $1.048511000e+06, v0;
	v1 =	vmul.f32 $1.048511000e+06, v1  }
0x1b7: {  	v10 =	vld [tilespmem:s9+$0x20];
	v2 =	vmul.f32 $1.048511000e+06, v2;
	v3 =	vmul.f32 $1.048511000e+06, v3  }
0x1b8: {  	v4 =	vmul.f32 $1.048511000e+06, v4;
	v5 =	vmul.f32 $1.048511000e+06, v5  }
0x1b9: {  	v6 =	vmul.f32 $1.048511000e+06, v6;
	v7 =	vmul.f32 $1.048511000e+06, v7;
	v0 =	vadd.f32 $1.000000000e+00, v0  }
0x1ba: {  	v8 =	vmul.f32 $1.048511000e+06, v8;
	v1 =	vadd.f32 $1.000000000e+00, v1;
	v2 =	vadd.f32 $1.000000000e+00, v2  }
0x1bb: {  	v9 =	vmul.f32 $1.048511000e+06, v9;
	v3 =	vadd.f32 $1.000000000e+00, v3;
	v5 =	vadd.f32 $1.000000000e+00, v5  }
0x1bc: {  	v10 =	vmul.f32 $1.048511000e+06, v10;
	v6 =	vadd.f32 $1.000000000e+00, v6;
	v4 =	vadd.f32 $1.000000000e+00, v4  }
0x1bd: {  	v7 =	vadd.f32 $1.000000000e+00, v7;
	v0 =	vmax.f32 v0, $1.000000000e+00;
	v1 =	vmax.f32 v1, $1.000000000e+00  }
0x1be: {  	v2 =	vmax.f32 v2, $1.000000000e+00;
	v3 =	vmax.f32 v3, $1.000000000e+00;
	v5 =	vmax.f32 v5, $1.000000000e+00  }
0x1bf: {  	v6 =	vmax.f32 v6, $1.000000000e+00;
	v4 =	vmax.f32 v4, $1.000000000e+00;
	v13 =	vmax.f32 v7, $1.000000000e+00  }
0x1c0: {  	v0 =	vmin.f32 v0, $1.048512000e+06;
	v1 =	vmin.f32 v1, $1.048512000e+06;
	v2 =	vmin.f32 v2, $1.048512000e+06  }
0x1c1: {  	v3 =	vmin.f32 v3, $1.048512000e+06;
	v6 =	vmin.f32 v6, $1.048512000e+06;
	v0 =	vtrunc.f32 v0  }
0x1c2: {  	v4 =	vmin.f32 v4, $1.048512000e+06;
	v1 =	vtrunc.f32 v1;
	v2 =	vtrunc.f32 v2  }
0x1c3: {  	v7 =	vld [tilespmem:s9+$0x30];
	v5 =	vmin.f32 v5, $1.048512000e+06;
	v3 =	vtrunc.f32 v3;
	v6 =	vtrunc.f32 v6  }
0x1c4: {  	v5 =	vtrunc.f32 v5;
	v4 =	vtrunc.f32 v4  }
0x1c5: {  	v11 =	vld [tilespmem:s9+$0xFFFFFFF0];
	v8 =	vadd.f32 $1.000000000e+00, v8;
	v1 =	vcvt.f32.s32 v1;
	v0 =	vcvt.f32.s32 v0  }
0x1c6: {  	s5 =	simm.s32 $0x8040;
	v2 =	vcvt.f32.s32 v2;
	v6 =	vcvt.f32.s32 v6  }
0x1c7: {  	v12 =	vld [tilespmem:s9+$0x10];
	[tilespmem:s5+$0x0] =	vst v1;
	v1 =	vmax.f32 v8, $1.000000000e+00;
	v8 =	vadd.f32 $1.000000000e+00, v9;
	v9 =	vcvt.f32.s32 v3  }
0x1c8: {  	v5 =	vcvt.f32.s32 v5;
	[tilespmem:s5+$0xFFFFFFC0] =	vst v0;
	v7 =	vmul.f32 $1.048511000e+06, v7  }
0x1c9: {  	v0 =	vmin.f32 v1, $1.048512000e+06;
	v1 =	vadd.f32 $1.000000000e+00, v10;
	[tilespmem:s5+$0xFFFFFFF0] =	vst v9;
	v9 =	vcvt.f32.s32 v4;
	v4 =	vld [tilespmem:s9+$0xFFFFFFE0]  }
0x1ca: {  	[tilespmem:s5+$0x20] =	vst v2;
	v10 =	vmul.f32 $1.048511000e+06, v11;
	v11 =	vmin.f32 v13, $1.048512000e+06;
	v2 =	vmax.f32 v8, $1.000000000e+00  }
0x1cb: {  	[tilespmem:s5+$0xFFFFFFE0] =	vst v6;
	v3 =	vtrunc.f32 v0;
	v0 =	vmin.f32 v2, $1.048512000e+06;
	v8 =	vmax.f32 v1, $1.000000000e+00  }
0x1cc: {  	s7 =	simm.s32 $0x80;
	[tilespmem:s5+$0x30] =	vst v5;
	v2 =	vmul.f32 $1.048511000e+06, v12;
	v6 =	vtrunc.f32 v0;
	v0 =	vld [tilespmem:s9+$0xFFFFFFD0];
	v5 =	vmin.f32 v8, $1.048512000e+06  }
0x1cd: {  	s6 =	simm.s32 $0x80C0;
	s8 =	simm.s32 $0x80C0;
	s9 =	simm.s32 $0x140;
	v8 =	vtrunc.f32 v11;
	[tilespmem:s5+$0x10] =	vst v9;
	v1 =	vcvt.f32.s32 v6;
	v6 =	vadd.f32 $1.000000000e+00, v10  }
.LBB2_14:
0x1ce: {  	v9 =	vld [tilespmem:s9+$0xFFFFFFC0];
	s7 =	sadd.s32 $0x80, s7;
	v4 =	vmul.f32 $1.048511000e+06, v4;
	v7 =	vadd.f32 $1.000000000e+00, v7;
	s8 =	sadd.s32 $0x80, s8;
	v8 =	vcvt.f32.s32 v8  }
0x1cf: {  	v3 =	vcvt.f32.s32 v3;
	v5 =	vtrunc.f32 v5;
	v10 =	vld [tilespmem:s9+$0x0];
	p0 =	slt.u32 s7, $0xF80;
	v6 =	vmax.f32 v6, $1.000000000e+00  }
0x1d0: {  	v2 =	vadd.f32 $1.000000000e+00, v2;
	v11 =	vld [tilespmem:s9+$0x30];
	v4 =	vadd.f32 $1.000000000e+00, v4;
	v7 =	vmax.f32 v7, $1.000000000e+00;
	[tilespmem:s5+$0xFFFFFFD0] =	vst v8;
	s5 =	smov.u32 s6;
	s6 =	smov.u32 s8  }
0x1d1: {  	v12 =	vmul.f32 $1.048511000e+06, v0;
	v0 =	vmin.f32 v6, $1.048512000e+06;
	v8 =	vld [tilespmem:s9+$0x20];
	[tilespmem:s5+$0x0] =	vst v1;
	v1 =	vcvt.f32.s32 v5  }
0x1d2: {  	v2 =	vmax.f32 v2, $1.000000000e+00;
	v5 =	vld [tilespmem:s9+$0x10];
	[tilespmem:s5+$0xFFFFFFC0] =	vst v3;
	v3 =	vmax.f32 v4, $1.000000000e+00;
	v4 =	vtrunc.f32 v0  }
0x1d3: {  	v6 =	vmul.f32 $1.048511000e+06, v9;
	v0 =	vld [tilespmem:s9+$0xFFFFFFD0];
	v9 =	vadd.f32 $1.000000000e+00, v12;
	v3 =	vmin.f32 v3, $1.048512000e+06;
	[tilespmem:s5+$0x20] =	vst v1  }
0x1d4: {  	v2 =	vmin.f32 v2, $1.048512000e+06;
	v7 =	vmin.f32 v7, $1.048512000e+06;
	v1 =	vld [tilespmem:s9+$0xFFFFFFF0];
	v3 =	vtrunc.f32 v3  }
0x1d5: {  	v10 =	vmul.f32 $1.048511000e+06, v10;
	v6 =	vadd.f32 $1.000000000e+00, v6;
	v3 =	vcvt.f32.s32 v3  }
0x1d6: {  	v7 =	vtrunc.f32 v7;
	v9 =	vmax.f32 v9, $1.000000000e+00;
	v8 =	vmul.f32 $1.048511000e+06, v8  }
0x1d7: {  	v10 =	vadd.f32 $1.000000000e+00, v10;
	v6 =	vmax.f32 v6, $1.000000000e+00;
	[tilespmem:s5+$0xFFFFFFE0] =	vst v3;
	v3 =	vcvt.f32.s32 v4  }
0x1d8: {  	v7 =	vcvt.f32.s32 v7;
	v6 =	vmin.f32 v6, $1.048512000e+06;
	v8 =	vadd.f32 $1.000000000e+00, v8  }
.Ltmp6:
0x1d9: {  	v4 =	vld [tilespmem:s9+$0xFFFFFFE0];
	v12 =	vmul.f32 $1.048511000e+06, v1;
	v1 =	vmax.f32 v10, $1.000000000e+00;
	[tilespmem:s5+$0xFFFFFFF0] =	vst v3;
	v10 =	vtrunc.f32 v2;
	(pc) =	sbr.rel @p0 .LBB2_14-.Ltmp6, $4  }
0x1da: {  	v3 =	vtrunc.f32 v6;
	v2 =	vmul.f32 $1.048511000e+06, v5;
	v1 =	vmin.f32 v1, $1.048512000e+06;
	[tilespmem:s5+$0x30] =	vst v7  }
0x1db: {  	v5 =	vmax.f32 v8, $1.000000000e+00;
	v10 =	vcvt.f32.s32 v10;
	v1 =	vtrunc.f32 v1  }
0x1dc: {  	v7 =	vmul.f32 $1.048511000e+06, v11;
	v8 =	vmin.f32 v9, $1.048512000e+06;
	v1 =	vcvt.f32.s32 v1  }
0x1dd: {  	s9 =	sadd.s32 $0x80, s9;
	v6 =	vadd.f32 $1.000000000e+00, v12;
	v5 =	vmin.f32 v5, $1.048512000e+06;
	v8 =	vtrunc.f32 v8;
	[tilespmem:s5+$0x10] =	vst v10  }
0x1de: {  	v4 =	vmul.f32 $1.048511000e+06, v4;
	v7 =	vadd.f32 $1.000000000e+00, v7;
	v8 =	vcvt.f32.s32 v8  }
0x1df: {  	v3 =	vcvt.f32.s32 v3;
	v5 =	vtrunc.f32 v5;
	v2 =	vadd.f32 $1.000000000e+00, v2  }
0x1e0: {  	v0 =	vmul.f32 $1.048511000e+06, v0;
	v6 =	vmax.f32 v6, $1.000000000e+00;
	v5 =	vcvt.f32.s32 v5  }
0x1e1: {  	[tilespmem:s6+$0x0] =	vst v1;
	v4 =	vadd.f32 $1.000000000e+00, v4;
	v7 =	vmax.f32 v7, $1.000000000e+00;
	v1 =	vmax.f32 v2, $1.000000000e+00  }
0x1e2: {  	v6 =	vmin.f32 v6, $1.048512000e+06;
	v0 =	vadd.f32 $1.000000000e+00, v0;
	v1 =	vmin.f32 v1, $1.048512000e+06  }
0x1e3: {  	[tilespmem:s5+$0xFFFFFFD0] =	vst v8;
	v6 =	vtrunc.f32 v6;
	v4 =	vmax.f32 v4, $1.000000000e+00;
	v1 =	vtrunc.f32 v1  }
0x1e4: {  	[tilespmem:s6+$0xFFFFFFC0] =	vst v3;
	v0 =	vmax.f32 v0, $1.000000000e+00;
	v4 =	vmin.f32 v4, $1.048512000e+06;
	v1 =	vcvt.f32.s32 v1  }
0x1e5: {  	[tilespmem:s6+$0x20] =	vst v5;
	v0 =	vmin.f32 v0, $1.048512000e+06;
	v2 =	vtrunc.f32 v4;
	v4 =	vcvt.f32.s32 v6  }
0x1e6: {  	v3 =	vmin.f32 v7, $1.048512000e+06;
	v0 =	vtrunc.f32 v0;
	v2 =	vcvt.f32.s32 v2;
	[tilespmem:s6+$0x10] =	vst v1  }
0x1e7: {  	v3 =	vtrunc.f32 v3;
	v0 =	vcvt.f32.s32 v0;
	[tilespmem:s6+$0xFFFFFFF0] =	vst v4  }
0x1e8: {  	[tilespmem:s6+$0xFFFFFFE0] =	vst v2;
	v2 =	vcvt.f32.s32 v3  }
0x1e9: {  	[tilespmem:s6+$0xFFFFFFD0] =	vst v0  }
0x1ea: {  	[tilespmem:s6+$0x30] =	vst v2  }
0x1eb: {  	_ =	swait.ge [sflag:s23], $0x1000  }
0x1ec: {  	[sflag:s23] =	ssyncset.done $0x0  }
0x1ed: {  	s8 =	simm.s32 $0x1040;
	[sflag:s23] =	ssyncadd.s32 $0xFFFFF000  }
0x1ee: {  	v0 =	vld [tilespmem:s8+$0xFFFFFFC0]  }
0x1ef: {  	v1 =	vld [tilespmem:s8+$0x0]  }
0x1f0: {  	v2 =	vld [tilespmem:s8+$0x20]  }
0x1f1: {  	v3 =	vld [tilespmem:s8+$0xFFFFFFF0]  }
0x1f2: {  	v4 =	vld [tilespmem:s8+$0x10]  }
0x1f3: {  	v5 =	vld [tilespmem:s8+$0x30]  }
0x1f4: {  	v6 =	vld [tilespmem:s8+$0xFFFFFFE0]  }
0x1f5: {  	s9 =	simm.s32 $0x10C0;
	v7 =	vld [tilespmem:s8+$0xFFFFFFD0]  }
0x1f6: {  	v8 =	vld [tilespmem:s9+$0xFFFFFFC0]  }
0x1f7: {  	v9 =	vld [tilespmem:s9+$0x0];
	v0 =	vmul.f32 $1.048511000e+06, v0;
	v1 =	vmul.f32 $1.048511000e+06, v1  }
0x1f8: {  	v10 =	vld [tilespmem:s9+$0x20];
	v2 =	vmul.f32 $1.048511000e+06, v2;
	v3 =	vmul.f32 $1.048511000e+06, v3  }
0x1f9: {  	v4 =	vmul.f32 $1.048511000e+06, v4;
	v5 =	vmul.f32 $1.048511000e+06, v5  }
0x1fa: {  	v6 =	vmul.f32 $1.048511000e+06, v6;
	v7 =	vmul.f32 $1.048511000e+06, v7;
	v0 =	vadd.f32 $1.000000000e+00, v0  }
0x1fb: {  	v8 =	vmul.f32 $1.048511000e+06, v8;
	v1 =	vadd.f32 $1.000000000e+00, v1;
	v2 =	vadd.f32 $1.000000000e+00, v2  }
0x1fc: {  	v9 =	vmul.f32 $1.048511000e+06, v9;
	v3 =	vadd.f32 $1.000000000e+00, v3;
	v5 =	vadd.f32 $1.000000000e+00, v5  }
0x1fd: {  	v10 =	vmul.f32 $1.048511000e+06, v10;
	v6 =	vadd.f32 $1.000000000e+00, v6;
	v4 =	vadd.f32 $1.000000000e+00, v4  }
0x1fe: {  	v7 =	vadd.f32 $1.000000000e+00, v7;
	v0 =	vmax.f32 v0, $1.000000000e+00;
	v1 =	vmax.f32 v1, $1.000000000e+00  }
0x1ff: {  	v2 =	vmax.f32 v2, $1.000000000e+00;
	v3 =	vmax.f32 v3, $1.000000000e+00;
	v5 =	vmax.f32 v5, $1.000000000e+00  }
0x200: {  	v6 =	vmax.f32 v6, $1.000000000e+00;
	v4 =	vmax.f32 v4, $1.000000000e+00;
	v13 =	vmax.f32 v7, $1.000000000e+00  }
0x201: {  	v0 =	vmin.f32 v0, $1.048512000e+06;
	v1 =	vmin.f32 v1, $1.048512000e+06;
	v2 =	vmin.f32 v2, $1.048512000e+06  }
0x202: {  	v3 =	vmin.f32 v3, $1.048512000e+06;
	v6 =	vmin.f32 v6, $1.048512000e+06;
	v0 =	vtrunc.f32 v0  }
0x203: {  	v4 =	vmin.f32 v4, $1.048512000e+06;
	v1 =	vtrunc.f32 v1;
	v2 =	vtrunc.f32 v2  }
0x204: {  	v7 =	vld [tilespmem:s9+$0x30];
	v5 =	vmin.f32 v5, $1.048512000e+06;
	v3 =	vtrunc.f32 v3;
	v6 =	vtrunc.f32 v6  }
0x205: {  	v5 =	vtrunc.f32 v5;
	v4 =	vtrunc.f32 v4  }
0x206: {  	v11 =	vld [tilespmem:s9+$0xFFFFFFF0];
	v8 =	vadd.f32 $1.000000000e+00, v8;
	v1 =	vcvt.f32.s32 v1;
	v0 =	vcvt.f32.s32 v0  }
0x207: {  	s5 =	simm.s32 $0x9040;
	v2 =	vcvt.f32.s32 v2;
	v6 =	vcvt.f32.s32 v6  }
0x208: {  	v12 =	vld [tilespmem:s9+$0x10];
	[tilespmem:s5+$0x0] =	vst v1;
	v1 =	vmax.f32 v8, $1.000000000e+00;
	v8 =	vadd.f32 $1.000000000e+00, v9;
	v9 =	vcvt.f32.s32 v3  }
0x209: {  	v5 =	vcvt.f32.s32 v5;
	[tilespmem:s5+$0xFFFFFFC0] =	vst v0;
	v7 =	vmul.f32 $1.048511000e+06, v7  }
0x20a: {  	v0 =	vmin.f32 v1, $1.048512000e+06;
	v1 =	vadd.f32 $1.000000000e+00, v10;
	[tilespmem:s5+$0xFFFFFFF0] =	vst v9;
	v9 =	vcvt.f32.s32 v4;
	v4 =	vld [tilespmem:s9+$0xFFFFFFE0]  }
0x20b: {  	[tilespmem:s5+$0x20] =	vst v2;
	v10 =	vmul.f32 $1.048511000e+06, v11;
	v11 =	vmin.f32 v13, $1.048512000e+06;
	v2 =	vmax.f32 v8, $1.000000000e+00  }
0x20c: {  	[tilespmem:s5+$0xFFFFFFE0] =	vst v6;
	v3 =	vtrunc.f32 v0;
	v0 =	vmin.f32 v2, $1.048512000e+06;
	v8 =	vmax.f32 v1, $1.000000000e+00  }
0x20d: {  	s7 =	simm.s32 $0x80;
	[tilespmem:s5+$0x30] =	vst v5;
	v2 =	vmul.f32 $1.048511000e+06, v12;
	v6 =	vtrunc.f32 v0;
	v0 =	vld [tilespmem:s9+$0xFFFFFFD0];
	v5 =	vmin.f32 v8, $1.048512000e+06  }
0x20e: {  	s6 =	simm.s32 $0x90C0;
	s8 =	simm.s32 $0x90C0;
	s9 =	simm.s32 $0x1140;
	v8 =	vtrunc.f32 v11;
	[tilespmem:s5+$0x10] =	vst v9;
	v1 =	vcvt.f32.s32 v6;
	v6 =	vadd.f32 $1.000000000e+00, v10  }
.LBB2_16:
0x20f: {  	v9 =	vld [tilespmem:s9+$0xFFFFFFC0];
	s7 =	sadd.s32 $0x80, s7;
	v4 =	vmul.f32 $1.048511000e+06, v4;
	v7 =	vadd.f32 $1.000000000e+00, v7;
	s8 =	sadd.s32 $0x80, s8;
	v8 =	vcvt.f32.s32 v8  }
0x210: {  	v3 =	vcvt.f32.s32 v3;
	v5 =	vtrunc.f32 v5;
	v10 =	vld [tilespmem:s9+$0x0];
	p0 =	slt.u32 s7, $0xF80;
	v6 =	vmax.f32 v6, $1.000000000e+00  }
0x211: {  	v2 =	vadd.f32 $1.000000000e+00, v2;
	v11 =	vld [tilespmem:s9+$0x30];
	v4 =	vadd.f32 $1.000000000e+00, v4;
	v7 =	vmax.f32 v7, $1.000000000e+00;
	[tilespmem:s5+$0xFFFFFFD0] =	vst v8;
	s5 =	smov.u32 s6;
	s6 =	smov.u32 s8  }
0x212: {  	v12 =	vmul.f32 $1.048511000e+06, v0;
	v0 =	vmin.f32 v6, $1.048512000e+06;
	v8 =	vld [tilespmem:s9+$0x20];
	[tilespmem:s5+$0x0] =	vst v1;
	v1 =	vcvt.f32.s32 v5  }
0x213: {  	v2 =	vmax.f32 v2, $1.000000000e+00;
	v5 =	vld [tilespmem:s9+$0x10];
	[tilespmem:s5+$0xFFFFFFC0] =	vst v3;
	v3 =	vmax.f32 v4, $1.000000000e+00;
	v4 =	vtrunc.f32 v0  }
0x214: {  	v6 =	vmul.f32 $1.048511000e+06, v9;
	v0 =	vld [tilespmem:s9+$0xFFFFFFD0];
	v9 =	vadd.f32 $1.000000000e+00, v12;
	v3 =	vmin.f32 v3, $1.048512000e+06;
	[tilespmem:s5+$0x20] =	vst v1  }
0x215: {  	v2 =	vmin.f32 v2, $1.048512000e+06;
	v7 =	vmin.f32 v7, $1.048512000e+06;
	v1 =	vld [tilespmem:s9+$0xFFFFFFF0];
	v3 =	vtrunc.f32 v3  }
0x216: {  	v10 =	vmul.f32 $1.048511000e+06, v10;
	v6 =	vadd.f32 $1.000000000e+00, v6;
	v3 =	vcvt.f32.s32 v3  }
0x217: {  	v7 =	vtrunc.f32 v7;
	v9 =	vmax.f32 v9, $1.000000000e+00;
	v8 =	vmul.f32 $1.048511000e+06, v8  }
0x218: {  	v10 =	vadd.f32 $1.000000000e+00, v10;
	v6 =	vmax.f32 v6, $1.000000000e+00;
	[tilespmem:s5+$0xFFFFFFE0] =	vst v3;
	v3 =	vcvt.f32.s32 v4  }
0x219: {  	v7 =	vcvt.f32.s32 v7;
	v6 =	vmin.f32 v6, $1.048512000e+06;
	v8 =	vadd.f32 $1.000000000e+00, v8  }
.Ltmp7:
0x21a: {  	v4 =	vld [tilespmem:s9+$0xFFFFFFE0];
	v12 =	vmul.f32 $1.048511000e+06, v1;
	v1 =	vmax.f32 v10, $1.000000000e+00;
	[tilespmem:s5+$0xFFFFFFF0] =	vst v3;
	v10 =	vtrunc.f32 v2;
	(pc) =	sbr.rel @p0 .LBB2_16-.Ltmp7, $4  }
0x21b: {  	v3 =	vtrunc.f32 v6;
	v2 =	vmul.f32 $1.048511000e+06, v5;
	v1 =	vmin.f32 v1, $1.048512000e+06;
	[tilespmem:s5+$0x30] =	vst v7  }
0x21c: {  	v5 =	vmax.f32 v8, $1.000000000e+00;
	v10 =	vcvt.f32.s32 v10;
	v1 =	vtrunc.f32 v1  }
0x21d: {  	v7 =	vmul.f32 $1.048511000e+06, v11;
	v8 =	vmin.f32 v9, $1.048512000e+06;
	v1 =	vcvt.f32.s32 v1  }
0x21e: {  	s9 =	sadd.s32 $0x80, s9;
	v6 =	vadd.f32 $1.000000000e+00, v12;
	v5 =	vmin.f32 v5, $1.048512000e+06;
	v8 =	vtrunc.f32 v8;
	[tilespmem:s5+$0x10] =	vst v10  }
0x21f: {  	v4 =	vmul.f32 $1.048511000e+06, v4;
	v7 =	vadd.f32 $1.000000000e+00, v7;
	v8 =	vcvt.f32.s32 v8  }
0x220: {  	v3 =	vcvt.f32.s32 v3;
	v5 =	vtrunc.f32 v5;
	v2 =	vadd.f32 $1.000000000e+00, v2  }
0x221: {  	v0 =	vmul.f32 $1.048511000e+06, v0;
	v6 =	vmax.f32 v6, $1.000000000e+00;
	v5 =	vcvt.f32.s32 v5  }
0x222: {  	v4 =	vadd.f32 $1.000000000e+00, v4;
	v7 =	vmax.f32 v7, $1.000000000e+00;
	v6 =	vmin.f32 v6, $1.048512000e+06  }
0x223: {  	[tilespmem:s6+$0x0] =	vst v1;
	v59 =	vmax.f32 v2, $1.000000000e+00;
	v0 =	vadd.f32 $1.000000000e+00, v0;
	v6 =	vtrunc.f32 v6  }
0x224: {  	[tilespmem:s5+$0xFFFFFFD0] =	vst v8;
	v1 =	vmin.f32 v59, $1.048512000e+06;
	v61 =	vmin.f32 v7, $1.048512000e+06;
	v4 =	vmax.f32 v4, $1.000000000e+00  }
0x225: {  	[tilespmem:s6+$0xFFFFFFC0] =	vst v3;
	v0 =	vmax.f32 v0, $1.000000000e+00;
	v3 =	vtrunc.f32 v61;
	v62 =	vcvt.f32.s32 v6  }
0x226: {  	[tilespmem:s6+$0x20] =	vst v5;
	v1 =	vtrunc.f32 v1;
	v4 =	vmin.f32 v4, $1.048512000e+06;
	v63 =	vcvt.f32.s32 v3  }
0x227: {  	v0 =	vmin.f32 v0, $1.048512000e+06;
	v1 =	vcvt.f32.s32 v1;
	v60 =	vtrunc.f32 v4;
	[tilespmem:s6+$0xFFFFFFF0] =	vst v62  }
0x228: {  	v0 =	vtrunc.f32 v0;
	v2 =	vcvt.f32.s32 v60;
	[tilespmem:s6+$0x30] =	vst v63  }
0x229: {  	v0 =	vcvt.f32.s32 v0;
	[tilespmem:s6+$0x10] =	vst v1  }
0x22a: {  	[tilespmem:s6+$0xFFFFFFE0] =	vst v2  }
0x22b: {  	[tilespmem:s6+$0xFFFFFFD0] =	vst v0;
	s6 =	simm.s32 $0x2000  }
0x22c: {  	[tilespmem:s25], [sflag:$0x3] =	stream.indirect.gather [hbm4b:s3+s21], $0x1, s6, s21, $0xb8;
	[tilespmem:$0xD000] =	vst v63  }
0x22d: {  	s7 =	simm.s32 $0x3000  }
0x22e: {  	[tilespmem:s28], [sflag:$0x4] =	stream.indirect.gather [hbm4b:s3+s21], $0x1, s7, s21, $0xb8;
	[tilespmem:$0xD000] =	vst v63  }
0x22f: {  	_ =	swait.ge [sflag:s29], $0x1000  }
0x230: {  	[sflag:s29] =	ssyncset.done $0x0  }
0x231: {  	[sflag:s29] =	ssyncadd.s32 $0xFFFFF000  }
0x232: {  	[hbm4b:s12+s2] =	stream.linear.scatter [tilespmem:s25], [sflag:$0x6], $0x1000, $0x38;
	[tilespmem:$0xD000] =	vst v63  }
0x233: {  	s8 =	simm.s32 $0x4000  }
0x234: {  	[tilespmem:s31], [sflag:$0x5] =	stream.indirect.gather [hbm4b:s3+s21], $0x1, s8, s21, $0xb8;
	[tilespmem:$0xD000] =	vst v63  }
0x235: {  	_ =	swait.ge [sflag:s0], $0x1000  }
0x236: {  	[sflag:s0] =	ssyncset.done $0x0  }
0x237: {  	[sflag:s0] =	ssyncadd.s32 $0xFFFFF000  }
0x238: {  	[hbm4b:s13+s2] =	stream.linear.scatter [tilespmem:s28], [sflag:$0x7], $0x1000, $0x38;
	[tilespmem:$0xD000] =	vst v63  }
0x239: {  	_ =	swait.ge [sflag:s1], $0x1000  }
0x23a: {  	[sflag:s1] =	ssyncset.done $0x0  }
0x23b: {  	s9 =	simm.s32 $0x5000;
	[sflag:s1] =	ssyncadd.s32 $0xFFFFF000  }
0x23c: {  	[tilespmem:s25], [sflag:$0x3] =	stream.indirect.gather [hbm4b:s3+s21], $0x1, s9, s21, $0xb8;
	[tilespmem:$0xD000] =	vst v63  }
0x23d: {  	_ =	swait.ge [sflag:s26], $0x1000  }
0x23e: {  	[sflag:s26] =	ssyncset.done $0x0  }
0x23f: {  	[sflag:s26] =	ssyncadd.s32 $0xFFFFF000  }
0x240: {  	[hbm4b:s14+s2] =	stream.linear.scatter [tilespmem:s31], [sflag:$0x8], $0x1000, $0x38;
	[tilespmem:$0xD000] =	vst v63  }
0x241: {  	_ =	swait.ge [sflag:s30], $0x1000  }
0x242: {  	[sflag:s30] =	ssyncset.done $0x0  }
0x243: {  	s6 =	simm.s32 $0x6000;
	[sflag:s30] =	ssyncadd.s32 $0xFFFFF000  }
0x244: {  	[tilespmem:s28], [sflag:$0x4] =	stream.indirect.gather [hbm4b:s3+s21], $0x1, s6, s21, $0xb8;
	[tilespmem:$0xD000] =	vst v63  }
0x245: {  	_ =	swait.ge [sflag:s29], $0x1000  }
0x246: {  	[sflag:s29] =	ssyncset.done $0x0  }
0x247: {  	[sflag:s29] =	ssyncadd.s32 $0xFFFFF000  }
0x248: {  	[hbm4b:s15+s2] =	stream.linear.scatter [tilespmem:s25], [sflag:$0x6], $0x1000, $0x38;
	[tilespmem:$0xD000] =	vst v63  }
0x249: {  	_ =	swait.ge [sflag:s24], $0x1000  }
0x24a: {  	[sflag:s24] =	ssyncset.done $0x0  }
0x24b: {  	s7 =	simm.s32 $0x7000;
	[sflag:s24] =	ssyncadd.s32 $0xFFFFF000  }
0x24c: {  	[tilespmem:s31], [sflag:$0x5] =	stream.indirect.gather [hbm4b:s3+s21], $0x1, s7, s21, $0xb8;
	[tilespmem:$0xD000] =	vst v63  }
0x24d: {  	_ =	swait.ge [sflag:s0], $0x1000  }
0x24e: {  	[sflag:s0] =	ssyncset.done $0x0  }
0x24f: {  	[sflag:s0] =	ssyncadd.s32 $0xFFFFF000  }
0x250: {  	[hbm4b:s16+s2] =	stream.linear.scatter [tilespmem:s28], [sflag:$0x7], $0x1000, $0x38;
	[tilespmem:$0xD000] =	vst v63  }
0x251: {  	_ =	swait.ge [sflag:s1], $0x1000  }
0x252: {  	[sflag:s1] =	ssyncset.done $0x0  }
0x253: {  	s8 =	simm.s32 $0x8000;
	[sflag:s1] =	ssyncadd.s32 $0xFFFFF000  }
0x254: {  	[tilespmem:s25], [sflag:$0x3] =	stream.indirect.gather [hbm4b:s3+s21], $0x1, s8, s21, $0xb8;
	[tilespmem:$0xD000] =	vst v63  }
0x255: {  	_ =	swait.ge [sflag:s26], $0x1000  }
0x256: {  	[sflag:s26] =	ssyncset.done $0x0  }
0x257: {  	[sflag:s26] =	ssyncadd.s32 $0xFFFFF000  }
0x258: {  	[hbm4b:s17+s2] =	stream.linear.scatter [tilespmem:s31], [sflag:$0x8], $0x1000, $0x38;
	[tilespmem:$0xD000] =	vst v63  }
0x259: {  	_ =	swait.ge [sflag:s30], $0x1000  }
0x25a: {  	[sflag:s30] =	ssyncset.done $0x0  }
0x25b: {  	s9 =	simm.s32 $0x9000;
	[sflag:s30] =	ssyncadd.s32 $0xFFFFF000  }
0x25c: {  	[tilespmem:s28], [sflag:$0x4] =	stream.indirect.gather [hbm4b:s3+s21], $0x1, s9, s21, $0xb8;
	[tilespmem:$0xD000] =	vst v63  }
0x25d: {  	_ =	swait.ge [sflag:s29], $0x1000  }
0x25e: {  	[sflag:s29] =	ssyncset.done $0x0  }
0x25f: {  	[sflag:s29] =	ssyncadd.s32 $0xFFFFF000  }
0x260: {  	[hbm4b:s18+s2] =	stream.linear.scatter [tilespmem:s25], [sflag:$0x6], $0x1000, $0x38;
	[tilespmem:$0xD000] =	vst v63  }
0x261: {  	_ =	swait.ge [sflag:s0], $0x1000  }
0x262: {  	[sflag:s0] =	ssyncset.done $0x0  }
0x263: {  	[sflag:s0] =	ssyncadd.s32 $0xFFFFF000  }
0x264: {  	[hbm4b:s19+s2] =	stream.linear.scatter [tilespmem:s28], [sflag:$0x7], $0x1000, $0x38;
	[tilespmem:$0xD000] =	vst v63  }
0x265: {  	_ =	swait.ge [sflag:s24], $0x1000  }
0x266: {  	[sflag:s24] =	ssyncset.done $0x0  }
0x267: {  	s4 =	sadd.s32 $0x1, s4;
	[sflag:s24] =	ssyncadd.s32 $0xFFFFF000  }
0x268: {  	p0 =	sne.s32 s4, s20;
	_ =	swait.ge [sflag:s1], $0x1000  }
.Ltmp8:
0x269: {  	[sflag:s1] =	ssyncset.done $0x0;
	(pc) =	sbr.rel @p0 .LBB2_1-.Ltmp8, $4  }
0x26a: {  	[sflag:s1] =	ssyncadd.s32 $0xFFFFF000  }
0x26b: {  	_ =	swait.ge [sflag:s30], $0x1000  }
0x26c: {  	[sflag:s30] =	ssyncset.done $0x0  }
0x26d: {  	[sflag:s30] =	ssyncadd.s32 $0xFFFFF000  }
0x26e: {  	_ =	sfence.sel $0x180000  }
0x26f: {  	[bflag:$0x0] =	sbarrier.arrive $0xFFFF  }
0x270: {  	_ =	strace $0x90000047  }
0x271: {  	s0 =	stileid.u32;
	[bflag:$0x2] =	sbarrier.arrive $0xFFFF  }
0x272: {  	p0 =	sne.s32 s0, $0x0;
	s0 =	rddreg [dreg:$0x3]  }
0x273: {  	s0 =	sadd.s32 @!p0 $0x100000, s0  }
0x274: {  	[sflag:s0] =	ssyncadd.tile.s32 @!p0 $0x1;
	_ =	shalt  }
.Lfunc_end2:
_tile_overlayer_lowered:
.L_overlay_start_2:
0x275: {  	(tag) =	ssettag $0x2  }
0x276: {  	s0 =	rddreg [dreg:$0x0];
	s2 =	stileid.u32  }
0x277: {  	s1 =	rddreg [dreg:$0x1];
	p0 =	sne.s32 s2, $0x0  }
0x278: {  	s3 =	rddreg [dreg:$0x2];
	[bflag:$0x3] =	sbarrier.arrive $0xFFFF;
	s2 =	simm.s32 @!p0 $0x1C09  }
0x279: {  	[timem:s3], [sflag:s2] =	dma.local @!p0 [hbm:s0], s1  }
0x27a: {  	s0 =	simm.s32 @!p0 $0x9  }
0x27b: {  	_ =	swait.ge @!p0 [sflag:s0], s1  }
0x27c: {  	s1 =	ssub.s32 @!p0 $0x0, s1;
	[sflag:s0] =	ssyncset.done @!p0 $0x0  }
0x27d: {  	[sflag:s0] =	ssyncadd.s32 @!p0 s1  }
0x27e: {  	[bflag:$0x3] =	sbarrier.arrive $0xFFFF  }
0x27f: {  	_ =	shalt  }

</sc_bundles>
